<compile_context>
chip_gen: v7x
topology: tpu7x:2x2x1
jax: 0.10.2.dev20260603
libtpu: 0.0.44.dev20260713+nightly
codegen_flags: <defaults>
</compile_context>

<pallas_src>
import functools

import jax
import jax.numpy as jnp
from jax import lax
from jax.experimental import pallas as pl
from jax.experimental.pallas import tpu as pltpu
from jax.experimental.pallas import tpu_sc as plsc

_K = 16
_N = 1024
_BIG = 3.0e38
_NW = 32
_CH = 64
_SB = 2


def _dist_body(x_ref, d2_ref):
    x = x_ref[0]
    xb = x.astype(jnp.bfloat16)
    g = lax.dot_general(xb, xb, (((0,), (0,)), ((), ())),
                        preferred_element_type=jnp.float32)
    sq_row = jnp.sum(x * x, axis=0, keepdims=True)
    sq_col = jnp.transpose(sq_row, (1, 0))
    d2_ref[0] = sq_col + sq_row - 2.0 * g


def _select_body(nrows, d2_hbm, out_hbm, rows_v, t16_v, cand_v):
    wid = lax.axis_index("s") * 2 + lax.axis_index("c")
    base = wid * (nrows // _NW)

    def chunk_body(ci, carry):
        rbase = base + ci * _CH
        pltpu.sync_copy(d2_hbm.at[pl.ds(rbase, _CH)], rows_v)

        def row_body(r, carry2):
            m = rows_v[r, pl.ds(0, 16)]
            for i in range(1, 64):
                m = jnp.minimum(m, rows_v[r, pl.ds(16 * i, 16)])
            t_ub = lax.sort(m)[15]

            cnt = jnp.int32(0)
            for i in range(64):
                v = rows_v[r, pl.ds(16 * i, 16)]
                msk = v <= t_ub
                plsc.store_compressed(cand_v.at[pl.ds(cnt, 16)], v, mask=msk)
                cnt = cnt + plsc.all_reduce_population_count(msk)[0]
            cand_v[pl.ds(cnt, 16)] = jnp.full((16,), _BIG, jnp.float32)

            def merge(j, top):
                vs = lax.sort(cand_v[pl.ds(16 * j, 16)])
                return lax.sort(jnp.minimum(top, lax.rev(vs, (0,))))

            top = lax.fori_loop(0, (cnt + 15) // 16, merge,
                                jnp.full((16,), _BIG, jnp.float32))
            t16_v[r] = top
            return carry2

        lax.fori_loop(0, _CH, row_body, 0)
        pltpu.sync_copy(t16_v, out_hbm.at[pl.ds(rbase, _CH)])
        return carry

    lax.fori_loop(0, nrows // _NW // _CH, chunk_body, 0)


def _sc_select(d2_flat):
    nrows = d2_flat.shape[0]
    return pl.kernel(
        functools.partial(_select_body, nrows),
        out_type=jax.ShapeDtypeStruct((nrows, 16), jnp.float32),
        mesh=plsc.VectorSubcoreMesh(core_axis_name="c", subcore_axis_name="s"),
        scratch_types=[pltpu.VMEM((_CH, _N), jnp.float32),
                       pltpu.VMEM((_CH, 16), jnp.float32),
                       pltpu.VMEM((_N + 16,), jnp.float32)],
        compiler_params=pltpu.CompilerParams(needs_layout_passes=False),
    )(d2_flat)


def _fused_body(x_ref, out_ref):
    x = x_ref[0]
    xb = x.astype(jnp.bfloat16)
    g = lax.dot_general(xb, xb, (((0,), (0,)), ((), ())),
                        preferred_element_type=jnp.float32)
    eye = (lax.broadcasted_iota(jnp.int32, (_N, _N), 0)
           == lax.broadcasted_iota(jnp.int32, (_N, _N), 1))
    sq_row = jnp.sum(x * x, axis=0, keepdims=True)
    sq_col = jnp.transpose(sq_row, (1, 0))
    d2 = sq_col + sq_row - 2.0 * g
    t_row = jnp.full((1, _N), -_BIG, dtype=jnp.float32)
    for _ in range(_K):
        t_row = jnp.min(jnp.where(d2 > t_row, d2, _BIG), axis=0, keepdims=True)
    t_col = jnp.transpose(t_row, (1, 0))
    w = jnp.exp(-0.5 * d2)
    mk = ((d2 <= t_row).astype(jnp.float32)
          + (d2 <= t_col).astype(jnp.float32))
    a = 0.5 * w * mk
    deg = jnp.maximum(jnp.sum(a, axis=0, keepdims=True), 1e-6)
    r_row = lax.rsqrt(deg)
    r_col = jnp.transpose(r_row, (1, 0))
    lap = -(r_col * a * r_row)
    out_ref[0] = jnp.where(eye, 1.0 + lap, lap)


def _lap_body(d2_ref, t_ref, _buf_ref, out_ref):
    d2 = d2_ref[0]
    t_row = t_ref[0]
    t_col = jnp.transpose(t_row, (1, 0))
    w = jnp.exp(-0.5 * d2)
    mk = ((d2 <= t_row).astype(jnp.float32)
          + (d2 <= t_col).astype(jnp.float32))
    a = 0.5 * w * mk
    deg = jnp.maximum(jnp.sum(a, axis=0, keepdims=True), 1e-6)
    r_row = lax.rsqrt(deg)
    r_col = jnp.transpose(r_row, (1, 0))
    lap = -(r_col * a * r_row)
    eye = (lax.broadcasted_iota(jnp.int32, (_N, _N), 0)
           == lax.broadcasted_iota(jnp.int32, (_N, _N), 1))
    out_ref[0] = jnp.where(eye, 1.0 + lap, lap)


def kernel(xyz):
    b = xyz.shape[0]
    s = _SB if b > _SB else b
    xa, xb = xyz[:s], xyz[s:]

    d2a = pl.pallas_call(
        _dist_body,
        grid=(s,),
        in_specs=[pl.BlockSpec((1, 3, _N), lambda i: (i, 0, 0))],
        out_specs=pl.BlockSpec((1, _N, _N), lambda i: (i, 0, 0)),
        out_shape=jax.ShapeDtypeStruct((s, _N, _N), jnp.float32),
    )(xa)
    t16 = _sc_select(d2a.reshape(s * _N, _N))
    thr = t16[:, _K - 1].reshape(s, 1, _N)

    outb = pl.pallas_call(
        _fused_body,
        grid=(b - s,),
        in_specs=[pl.BlockSpec((1, 3, _N), lambda i: (i, 0, 0))],
        out_specs=pl.BlockSpec((1, _N, _N), lambda i, s=s: (i + s, 0, 0)),
        out_shape=jax.ShapeDtypeStruct((b, _N, _N), jnp.float32),
    )(xb)

    return pl.pallas_call(
        _lap_body,
        grid=(s,),
        in_specs=[pl.BlockSpec((1, _N, _N), lambda i: (i, 0, 0)),
                  pl.BlockSpec((1, 1, _N), lambda i: (i, 0, 0)),
                  pl.BlockSpec(memory_space=pl.ANY)],
        out_specs=pl.BlockSpec((1, _N, _N), lambda i: (i, 0, 0)),
        out_shape=jax.ShapeDtypeStruct((b, _N, _N), jnp.float32),
        input_output_aliases={2: 0},
    )(d2a, thr, outb)

# --- scband reference (transcript-rebuilt; emitter-appended) ---
"""Pipeline reference for scband-graph-builder-61254823575573 (READ-ONLY COPY).

The authoritative reference and input builder live on the scoring server;
editing this copy changes nothing except your own understanding.
"""

import jax, jax.numpy as jnp
import numpy as np

K = 16
SIGMA2 = 1.0


def setup_inputs(seed: int = 0) -> dict:
    key = jax.random.key(seed)
    xyz = jax.random.normal(key, (8, 3, 1024), dtype=jnp.float32)
    return {"xyz": xyz}


def reference(xyz):
    B, _, N = xyz.shape
    pts = jnp.transpose(xyz, (0, 2, 1))  # (B, N, 3)
    # brute-force pairwise squared distances for kNN
    sq = jnp.sum(pts * pts, axis=-1)  # (B, N)
    d2_full = sq[:, :, None] + sq[:, None, :] - 2.0 * jnp.einsum('bnd,bmd->bnm', pts, pts)
    # k nearest neighbors (smallest distance)
    _, idx = jax.lax.top_k(-d2_full, K)  # (B, N, K) int32
    bidx = jnp.arange(B)[:, None, None]
    iidx = jnp.arange(N)[None, :, None]
    neighbors = pts[bidx, idx]  # (B, N, K, 3) gather
    central = pts[:, :, None, :]  # (B, N, 1, 3) broadcast vs expand
    diff = central - neighbors
    dist2 = jnp.sum(diff * diff, axis=3)  # (B, N, K)
    weights = jnp.exp(-dist2 / (2.0 * SIGMA2))
    # scatter weights into dense adjacency (overwrite semantics, indices per row distinct)
    A = jnp.zeros((B, N, N), dtype=jnp.float32)
    A = A.at[jnp.broadcast_to(bidx, idx.shape), jnp.broadcast_to(iidx, idx.shape), idx].set(weights)
    A = 0.5 * (A + jnp.transpose(A, (0, 2, 1)))
    D = jnp.maximum(jnp.sum(A, axis=-1), 1e-06)
    d_inv_sqrt = D ** (-0.5)
    D_inv_sqrt = jax.vmap(jnp.diag)(d_inv_sqrt)  # (B, N, N) diag_embed
    I = jnp.broadcast_to(jnp.eye(N, dtype=jnp.float32), (B, N, N))
    L = I - D_inv_sqrt @ A @ D_inv_sqrt
    return L

if __name__ == "__main__":
    import jax
    _d = setup_inputs()
    print(jax.jit(kernel)(*tuple(_d.values())))

</pallas_src>

<mosaic_0001>
#map = affine_map<(d0, d1) -> (0, 0)>
module attributes {stable_mosaic.version = 14 : i64} {
  func.func @_select_body(%arg0: i32, %arg1: i32, %arg2: memref<2048x1024xf32, #tpu.memory_space<hbm>>, %arg3: memref<2048x16xf32, #tpu.memory_space<hbm>>, %arg4: memref<64x1024xf32, #tpu.memory_space<vmem>>, %arg5: memref<64x16xf32, #tpu.memory_space<vmem>>, %arg6: memref<1040xf32, #tpu.memory_space<vmem>>) attributes {dimension_semantics = [#tpu.dimension_semantics<core_parallel>, #tpu.dimension_semantics<subcore_parallel>], iteration_bounds = array<i64: 2, 16>, scalar_prefetch = 0 : i64, scratch_operands = 3 : i64, tpu.core_type = #tpu.core_type<sc_vector_subcore>, window_params = [{transform_indices = #map}, {transform_indices = #map}]} {
    %mul3A = arith.constant 2 : i32
    %mul3A_0 = arith.muli %arg1, %mul3A : i32
    %add3A = arith.addi %mul3A_0, %arg0 : i32
    %mul3A_1 = arith.constant 64 : i32
    %mul3A_2 = arith.muli %add3A, %mul3A_1 : i32
    %scan3A = arith.constant 0 : i32
    %scan3A_3 = arith.constant 0 : i32
    %mul3A_4 = arith.constant 64 : i32
    %mul3A_5 = arith.muli %scan3A_3, %mul3A_4 : i32
    %add3A_6 = arith.addi %mul3A_2, %mul3A_5 : i32
    "tpu.region"() ({
      %run_scoped3A = tpu.sem_alloc : memref<!tpu.dma_semaphore, #tpu.memory_space<semaphore_mem>>
      %dma_start3A = arith.constant 0 : i32
      %dma_start3A_14 = tpu.memref_slice %arg2[%add3A_6, %dma_start3A] : memref<2048x1024xf32, #tpu.memory_space<hbm>> -> memref<64x1024xf32, #tpu.memory_space<hbm>>
      %dma_start3A_15 = arith.constant 0 : i32
      %dma_start3A_16 = tpu.memref_slice %arg2[%add3A_6, %dma_start3A_15] : memref<2048x1024xf32, #tpu.memory_space<hbm>> -> memref<64x1024xf32, #tpu.memory_space<hbm>>
      tpu.enqueue_dma source(%dma_start3A_16 : memref<64x1024xf32, #tpu.memory_space<hbm>>) target(%arg4 : memref<64x1024xf32, #tpu.memory_space<vmem>>) target_semaphore(%run_scoped3A : memref<!tpu.dma_semaphore, #tpu.memory_space<semaphore_mem>>)
      %dma_wait3A = arith.constant 0 : i32
      %dma_wait3A_17 = tpu.memref_slice %arg2[%add3A_6, %dma_wait3A] : memref<2048x1024xf32, #tpu.memory_space<hbm>> -> memref<64x1024xf32, #tpu.memory_space<hbm>>
      %dma_wait3A_18 = arith.constant 0 : i32
      %dma_wait3A_19 = tpu.memref_slice %arg2[%add3A_6, %dma_wait3A_18] : memref<2048x1024xf32, #tpu.memory_space<hbm>> -> memref<64x1024xf32, #tpu.memory_space<hbm>>
      tpu.wait_dma2 semaphore(%run_scoped3A : memref<!tpu.dma_semaphore, #tpu.memory_space<semaphore_mem>>) src(%dma_wait3A_19 : memref<64x1024xf32, #tpu.memory_space<hbm>>) dst(%arg4 : memref<64x1024xf32, #tpu.memory_space<vmem>>)
      tpu.yield
    }) : () -> ()
    %scan3A_7 = arith.constant 0 : i32
    %scan3A_8 = arith.constant 0 : i32
    %scan3A_9 = arith.constant 64 : i32
    %scan3A_10 = arith.addi %scan3A_8, %scan3A_9 : i32
    %scan3A_11 = arith.constant 1 : i32
    scf.for %scan3A_14 = %scan3A_8 to %scan3A_10 step %scan3A_11  : i32 {
      %get3A = arith.index_cast %scan3A_14 : i32 to index
      %get3A_15 = arith.constant 0 : index
      %get3A_16 = tpu.vector_load %arg4[%get3A, %get3A_15] {strides = array<i32>} : memref<64x1024xf32, #tpu.memory_space<vmem>>, vector<16xf32>,
      %get3A_17 = arith.index_cast %scan3A_14 : i32 to index
      %get3A_18 = arith.constant 16 : index
      %get3A_19 = tpu.vector_load %arg4[%get3A_17, %get3A_18] {strides = array<i32>} : memref<64x1024xf32, #tpu.memory_space<vmem>>, vector<16xf32>,
      %min3A = arith.minimumf %get3A_16, %get3A_19 : vector<16xf32>
      %get3A_20 = arith.index_cast %scan3A_14 : i32 to index
      %get3A_21 = arith.constant 32 : index
      %get3A_22 = tpu.vector_load %arg4[%get3A_20, %get3A_21] {strides = array<i32>} : memref<64x1024xf32, #tpu.memory_space<vmem>>, vector<16xf32>,
      %min3A_23 = arith.minimumf %min3A, %get3A_22 : vector<16xf32>
      %get3A_24 = arith.index_cast %scan3A_14 : i32 to index
      %get3A_25 = arith.constant 48 : index
      %get3A_26 = tpu.vector_load %arg4[%get3A_24, %get3A_25] {strides = array<i32>} : memref<64x1024xf32, #tpu.memory_space<vmem>>, vector<16xf32>,
      %min3A_27 = arith.minimumf %min3A_23, %get3A_26 : vector<16xf32>
      %get3A_28 = arith.index_cast %scan3A_14 : i32 to index
      %get3A_29 = arith.constant 64 : index
      %get3A_30 = tpu.vector_load %arg4[%get3A_28, %get3A_29] {strides = array<i32>} : memref<64x1024xf32, #tpu.memory_space<vmem>>, vector<16xf32>,
      %min3A_31 = arith.minimumf %min3A_27, %get3A_30 : vector<16xf32>
      %get3A_32 = arith.index_cast %scan3A_14 : i32 to index
      %get3A_33 = arith.constant 80 : index
      %get3A_34 = tpu.vector_load %arg4[%get3A_32, %get3A_33] {strides = array<i32>} : memref<64x1024xf32, #tpu.memory_space<vmem>>, vector<16xf32>,
      %min3A_35 = arith.minimumf %min3A_31, %get3A_34 : vector<16xf32>
      %get3A_36 = arith.index_cast %scan3A_14 : i32 to index
      %get3A_37 = arith.constant 96 : index
      %get3A_38 = tpu.vector_load %arg4[%get3A_36, %get3A_37] {strides = array<i32>} : memref<64x1024xf32, #tpu.memory_space<vmem>>, vector<16xf32>,
      %min3A_39 = arith.minimumf %min3A_35, %get3A_38 : vector<16xf32>
      %get3A_40 = arith.index_cast %scan3A_14 : i32 to index
      %get3A_41 = arith.constant 112 : index
      %get3A_42 = tpu.vector_load %arg4[%get3A_40, %get3A_41] {strides = array<i32>} : memref<64x1024xf32, #tpu.memory_space<vmem>>, vector<16xf32>,
      %min3A_43 = arith.minimumf %min3A_39, %get3A_42 : vector<16xf32>
      %get3A_44 = arith.index_cast %scan3A_14 : i32 to index
      %get3A_45 = arith.constant 128 : index
      %get3A_46 = tpu.vector_load %arg4[%get3A_44, %get3A_45] {strides = array<i32>} : memref<64x1024xf32, #tpu.memory_space<vmem>>, vector<16xf32>,
      %min3A_47 = arith.minimumf %min3A_43, %get3A_46 : vector<16xf32>
      %get3A_48 = arith.index_cast %scan3A_14 : i32 to index
      %get3A_49 = arith.constant 144 : index
      %get3A_50 = tpu.vector_load %arg4[%get3A_48, %get3A_49] {strides = array<i32>} : memref<64x1024xf32, #tpu.memory_space<vmem>>, vector<16xf32>,
      %min3A_51 = arith.minimumf %min3A_47, %get3A_50 : vector<16xf32>
      %get3A_52 = arith.index_cast %scan3A_14 : i32 to index
      %get3A_53 = arith.constant 160 : index
      %get3A_54 = tpu.vector_load %arg4[%get3A_52, %get3A_53] {strides = array<i32>} : memref<64x1024xf32, #tpu.memory_space<vmem>>, vector<16xf32>,
      %min3A_55 = arith.minimumf %min3A_51, %get3A_54 : vector<16xf32>
      %get3A_56 = arith.index_cast %scan3A_14 : i32 to index
      %get3A_57 = arith.constant 176 : index
      %get3A_58 = tpu.vector_load %arg4[%get3A_56, %get3A_57] {strides = array<i32>} : memref<64x1024xf32, #tpu.memory_space<vmem>>, vector<16xf32>,
      %min3A_59 = arith.minimumf %min3A_55, %get3A_58 : vector<16xf32>
      %get3A_60 = arith.index_cast %scan3A_14 : i32 to index
      %get3A_61 = arith.constant 192 : index
      %get3A_62 = tpu.vector_load %arg4[%get3A_60, %get3A_61] {strides = array<i32>} : memref<64x1024xf32, #tpu.memory_space<vmem>>, vector<16xf32>,
      %min3A_63 = arith.minimumf %min3A_59, %get3A_62 : vector<16xf32>
      %get3A_64 = arith.index_cast %scan3A_14 : i32 to index
      %get3A_65 = arith.constant 208 : index
      %get3A_66 = tpu.vector_load %arg4[%get3A_64, %get3A_65] {strides = array<i32>} : memref<64x1024xf32, #tpu.memory_space<vmem>>, vector<16xf32>,
      %min3A_67 = arith.minimumf %min3A_63, %get3A_66 : vector<16xf32>
      %get3A_68 = arith.index_cast %scan3A_14 : i32 to index
      %get3A_69 = arith.constant 224 : index
      %get3A_70 = tpu.vector_load %arg4[%get3A_68, %get3A_69] {strides = array<i32>} : memref<64x1024xf32, #tpu.memory_space<vmem>>, vector<16xf32>,
      %min3A_71 = arith.minimumf %min3A_67, %get3A_70 : vector<16xf32>
      %get3A_72 = arith.index_cast %scan3A_14 : i32 to index
      %get3A_73 = arith.constant 240 : index
      %get3A_74 = tpu.vector_load %arg4[%get3A_72, %get3A_73] {strides = array<i32>} : memref<64x1024xf32, #tpu.memory_space<vmem>>, vector<16xf32>,
      %min3A_75 = arith.minimumf %min3A_71, %get3A_74 : vector<16xf32>
      %get3A_76 = arith.index_cast %scan3A_14 : i32 to index
      %get3A_77 = arith.constant 256 : index
      %get3A_78 = tpu.vector_load %arg4[%get3A_76, %get3A_77] {strides = array<i32>} : memref<64x1024xf32, #tpu.memory_space<vmem>>, vector<16xf32>,
      %min3A_79 = arith.minimumf %min3A_75, %get3A_78 : vector<16xf32>
      %get3A_80 = arith.index_cast %scan3A_14 : i32 to index
      %get3A_81 = arith.constant 272 : index
      %get3A_82 = tpu.vector_load %arg4[%get3A_80, %get3A_81] {strides = array<i32>} : memref<64x1024xf32, #tpu.memory_space<vmem>>, vector<16xf32>,
      %min3A_83 = arith.minimumf %min3A_79, %get3A_82 : vector<16xf32>
      %get3A_84 = arith.index_cast %scan3A_14 : i32 to index
      %get3A_85 = arith.constant 288 : index
      %get3A_86 = tpu.vector_load %arg4[%get3A_84, %get3A_85] {strides = array<i32>} : memref<64x1024xf32, #tpu.memory_space<vmem>>, vector<16xf32>,
      %min3A_87 = arith.minimumf %min3A_83, %get3A_86 : vector<16xf32>
      %get3A_88 = arith.index_cast %scan3A_14 : i32 to index
      %get3A_89 = arith.constant 304 : index
      %get3A_90 = tpu.vector_load %arg4[%get3A_88, %get3A_89] {strides = array<i32>} : memref<64x1024xf32, #tpu.memory_space<vmem>>, vector<16xf32>,
      %min3A_91 = arith.minimumf %min3A_87, %get3A_90 : vector<16xf32>
      %get3A_92 = arith.index_cast %scan3A_14 : i32 to index
      %get3A_93 = arith.constant 320 : index
      %get3A_94 = tpu.vector_load %arg4[%get3A_92, %get3A_93] {strides = array<i32>} : memref<64x1024xf32, #tpu.memory_space<vmem>>, vector<16xf32>,
      %min3A_95 = arith.minimumf %min3A_91, %get3A_94 : vector<16xf32>
      %get3A_96 = arith.index_cast %scan3A_14 : i32 to index
      %get3A_97 = arith.constant 336 : index
      %get3A_98 = tpu.vector_load %arg4[%get3A_96, %get3A_97] {strides = array<i32>} : memref<64x1024xf32, #tpu.memory_space<vmem>>, vector<16xf32>,
      %min3A_99 = arith.minimumf %min3A_95, %get3A_98 : vector<16xf32>
      %get3A_100 = arith.index_cast %scan3A_14 : i32 to index
      %get3A_101 = arith.constant 352 : index
      %get3A_102 = tpu.vector_load %arg4[%get3A_100, %get3A_101] {strides = array<i32>} : memref<64x1024xf32, #tpu.memory_space<vmem>>, vector<16xf32>,
      %min3A_103 = arith.minimumf %min3A_99, %get3A_102 : vector<16xf32>
      %get3A_104 = arith.index_cast %scan3A_14 : i32 to index
      %get3A_105 = arith.constant 368 : index
      %get3A_106 = tpu.vector_load %arg4[%get3A_104, %get3A_105] {strides = array<i32>} : memref<64x1024xf32, #tpu.memory_space<vmem>>, vector<16xf32>,
      %min3A_107 = arith.minimumf %min3A_103, %get3A_106 : vector<16xf32>
      %get3A_108 = arith.index_cast %scan3A_14 : i32 to index
      %get3A_109 = arith.constant 384 : index
      %get3A_110 = tpu.vector_load %arg4[%get3A_108, %get3A_109] {strides = array<i32>} : memref<64x1024xf32, #tpu.memory_space<vmem>>, vector<16xf32>,
      %min3A_111 = arith.minimumf %min3A_107, %get3A_110 : vector<16xf32>
      %get3A_112 = arith.index_cast %scan3A_14 : i32 to index
      %get3A_113 = arith.constant 400 : index
      %get3A_114 = tpu.vector_load %arg4[%get3A_112, %get3A_113] {strides = array<i32>} : memref<64x1024xf32, #tpu.memory_space<vmem>>, vector<16xf32>,
      %min3A_115 = arith.minimumf %min3A_111, %get3A_114 : vector<16xf32>
      %get3A_116 = arith.index_cast %scan3A_14 : i32 to index
      %get3A_117 = arith.constant 416 : index
      %get3A_118 = tpu.vector_load %arg4[%get3A_116, %get3A_117] {strides = array<i32>} : memref<64x1024xf32, #tpu.memory_space<vmem>>, vector<16xf32>,
      %min3A_119 = arith.minimumf %min3A_115, %get3A_118 : vector<16xf32>
      %get3A_120 = arith.index_cast %scan3A_14 : i32 to index
      %get3A_121 = arith.constant 432 : index
      %get3A_122 = tpu.vector_load %arg4[%get3A_120, %get3A_121] {strides = array<i32>} : memref<64x1024xf32, #tpu.memory_space<vmem>>, vector<16xf32>,
      %min3A_123 = arith.minimumf %min3A_119, %get3A_122 : vector<16xf32>
      %get3A_124 = arith.index_cast %scan3A_14 : i32 to index
      %get3A_125 = arith.constant 448 : index
      %get3A_126 = tpu.vector_load %arg4[%get3A_124, %get3A_125] {strides = array<i32>} : memref<64x1024xf32, #tpu.memory_space<vmem>>, vector<16xf32>,
      %min3A_127 = arith.minimumf %min3A_123, %get3A_126 : vector<16xf32>
      %get3A_128 = arith.index_cast %scan3A_14 : i32 to index
      %get3A_129 = arith.constant 464 : index
      %get3A_130 = tpu.vector_load %arg4[%get3A_128, %get3A_129] {strides = array<i32>} : memref<64x1024xf32, #tpu.memory_space<vmem>>, vector<16xf32>,
      %min3A_131 = arith.minimumf %min3A_127, %get3A_130 : vector<16xf32>
      %get3A_132 = arith.index_cast %scan3A_14 : i32 to index
      %get3A_133 = arith.constant 480 : index
      %get3A_134 = tpu.vector_load %arg4[%get3A_132, %get3A_133] {strides = array<i32>} : memref<64x1024xf32, #tpu.memory_space<vmem>>, vector<16xf32>,
      %min3A_135 = arith.minimumf %min3A_131, %get3A_134 : vector<16xf32>
      %get3A_136 = arith.index_cast %scan3A_14 : i32 to index
      %get3A_137 = arith.constant 496 : index
      %get3A_138 = tpu.vector_load %arg4[%get3A_136, %get3A_137] {strides = array<i32>} : memref<64x1024xf32, #tpu.memory_space<vmem>>, vector<16xf32>,
      %min3A_139 = arith.minimumf %min3A_135, %get3A_138 : vector<16xf32>
      %get3A_140 = arith.index_cast %scan3A_14 : i32 to index
      %get3A_141 = arith.constant 512 : index
      %get3A_142 = tpu.vector_load %arg4[%get3A_140, %get3A_141] {strides = array<i32>} : memref<64x1024xf32, #tpu.memory_space<vmem>>, vector<16xf32>,
      %min3A_143 = arith.minimumf %min3A_139, %get3A_142 : vector<16xf32>
      %get3A_144 = arith.index_cast %scan3A_14 : i32 to index
      %get3A_145 = arith.constant 528 : index
      %get3A_146 = tpu.vector_load %arg4[%get3A_144, %get3A_145] {strides = array<i32>} : memref<64x1024xf32, #tpu.memory_space<vmem>>, vector<16xf32>,
      %min3A_147 = arith.minimumf %min3A_143, %get3A_146 : vector<16xf32>
      %get3A_148 = arith.index_cast %scan3A_14 : i32 to index
      %get3A_149 = arith.constant 544 : index
      %get3A_150 = tpu.vector_load %arg4[%get3A_148, %get3A_149] {strides = array<i32>} : memref<64x1024xf32, #tpu.memory_space<vmem>>, vector<16xf32>,
      %min3A_151 = arith.minimumf %min3A_147, %get3A_150 : vector<16xf32>
      %get3A_152 = arith.index_cast %scan3A_14 : i32 to index
      %get3A_153 = arith.constant 560 : index
      %get3A_154 = tpu.vector_load %arg4[%get3A_152, %get3A_153] {strides = array<i32>} : memref<64x1024xf32, #tpu.memory_space<vmem>>, vector<16xf32>,
      %min3A_155 = arith.minimumf %min3A_151, %get3A_154 : vector<16xf32>
      %get3A_156 = arith.index_cast %scan3A_14 : i32 to index
      %get3A_157 = arith.constant 576 : index
      %get3A_158 = tpu.vector_load %arg4[%get3A_156, %get3A_157] {strides = array<i32>} : memref<64x1024xf32, #tpu.memory_space<vmem>>, vector<16xf32>,
      %min3A_159 = arith.minimumf %min3A_155, %get3A_158 : vector<16xf32>
      %get3A_160 = arith.index_cast %scan3A_14 : i32 to index
      %get3A_161 = arith.constant 592 : index
      %get3A_162 = tpu.vector_load %arg4[%get3A_160, %get3A_161] {strides = array<i32>} : memref<64x1024xf32, #tpu.memory_space<vmem>>, vector<16xf32>,
      %min3A_163 = arith.minimumf %min3A_159, %get3A_162 : vector<16xf32>
      %get3A_164 = arith.index_cast %scan3A_14 : i32 to index
      %get3A_165 = arith.constant 608 : index
      %get3A_166 = tpu.vector_load %arg4[%get3A_164, %get3A_165] {strides = array<i32>} : memref<64x1024xf32, #tpu.memory_space<vmem>>, vector<16xf32>,
      %min3A_167 = arith.minimumf %min3A_163, %get3A_166 : vector<16xf32>
      %get3A_168 = arith.index_cast %scan3A_14 : i32 to index
      %get3A_169 = arith.constant 624 : index
      %get3A_170 = tpu.vector_load %arg4[%get3A_168, %get3A_169] {strides = array<i32>} : memref<64x1024xf32, #tpu.memory_space<vmem>>, vector<16xf32>,
      %min3A_171 = arith.minimumf %min3A_167, %get3A_170 : vector<16xf32>
      %get3A_172 = arith.index_cast %scan3A_14 : i32 to index
      %get3A_173 = arith.constant 640 : index
      %get3A_174 = tpu.vector_load %arg4[%get3A_172, %get3A_173] {strides = array<i32>} : memref<64x1024xf32, #tpu.memory_space<vmem>>, vector<16xf32>,
      %min3A_175 = arith.minimumf %min3A_171, %get3A_174 : vector<16xf32>
      %get3A_176 = arith.index_cast %scan3A_14 : i32 to index
      %get3A_177 = arith.constant 656 : index
      %get3A_178 = tpu.vector_load %arg4[%get3A_176, %get3A_177] {strides = array<i32>} : memref<64x1024xf32, #tpu.memory_space<vmem>>, vector<16xf32>,
      %min3A_179 = arith.minimumf %min3A_175, %get3A_178 : vector<16xf32>
      %get3A_180 = arith.index_cast %scan3A_14 : i32 to index
      %get3A_181 = arith.constant 672 : index
      %get3A_182 = tpu.vector_load %arg4[%get3A_180, %get3A_181] {strides = array<i32>} : memref<64x1024xf32, #tpu.memory_space<vmem>>, vector<16xf32>,
      %min3A_183 = arith.minimumf %min3A_179, %get3A_182 : vector<16xf32>
      %get3A_184 = arith.index_cast %scan3A_14 : i32 to index
      %get3A_185 = arith.constant 688 : index
      %get3A_186 = tpu.vector_load %arg4[%get3A_184, %get3A_185] {strides = array<i32>} : memref<64x1024xf32, #tpu.memory_space<vmem>>, vector<16xf32>,
      %min3A_187 = arith.minimumf %min3A_183, %get3A_186 : vector<16xf32>
      %get3A_188 = arith.index_cast %scan3A_14 : i32 to index
      %get3A_189 = arith.constant 704 : index
      %get3A_190 = tpu.vector_load %arg4[%get3A_188, %get3A_189] {strides = array<i32>} : memref<64x1024xf32, #tpu.memory_space<vmem>>, vector<16xf32>,
      %min3A_191 = arith.minimumf %min3A_187, %get3A_190 : vector<16xf32>
      %get3A_192 = arith.index_cast %scan3A_14 : i32 to index
      %get3A_193 = arith.constant 720 : index
      %get3A_194 = tpu.vector_load %arg4[%get3A_192, %get3A_193] {strides = array<i32>} : memref<64x1024xf32, #tpu.memory_space<vmem>>, vector<16xf32>,
      %min3A_195 = arith.minimumf %min3A_191, %get3A_194 : vector<16xf32>
      %get3A_196 = arith.index_cast %scan3A_14 : i32 to index
      %get3A_197 = arith.constant 736 : index
      %get3A_198 = tpu.vector_load %arg4[%get3A_196, %get3A_197] {strides = array<i32>} : memref<64x1024xf32, #tpu.memory_space<vmem>>, vector<16xf32>,
      %min3A_199 = arith.minimumf %min3A_195, %get3A_198 : vector<16xf32>
      %get3A_200 = arith.index_cast %scan3A_14 : i32 to index
      %get3A_201 = arith.constant 752 : index
      %get3A_202 = tpu.vector_load %arg4[%get3A_200, %get3A_201] {strides = array<i32>} : memref<64x1024xf32, #tpu.memory_space<vmem>>, vector<16xf32>,
      %min3A_203 = arith.minimumf %min3A_199, %get3A_202 : vector<16xf32>
      %get3A_204 = arith.index_cast %scan3A_14 : i32 to index
      %get3A_205 = arith.constant 768 : index
      %get3A_206 = tpu.vector_load %arg4[%get3A_204, %get3A_205] {strides = array<i32>} : memref<64x1024xf32, #tpu.memory_space<vmem>>, vector<16xf32>,
      %min3A_207 = arith.minimumf %min3A_203, %get3A_206 : vector<16xf32>
      %get3A_208 = arith.index_cast %scan3A_14 : i32 to index
      %get3A_209 = arith.constant 784 : index
      %get3A_210 = tpu.vector_load %arg4[%get3A_208, %get3A_209] {strides = array<i32>} : memref<64x1024xf32, #tpu.memory_space<vmem>>, vector<16xf32>,
      %min3A_211 = arith.minimumf %min3A_207, %get3A_210 : vector<16xf32>
      %get3A_212 = arith.index_cast %scan3A_14 : i32 to index
      %get3A_213 = arith.constant 800 : index
      %get3A_214 = tpu.vector_load %arg4[%get3A_212, %get3A_213] {strides = array<i32>} : memref<64x1024xf32, #tpu.memory_space<vmem>>, vector<16xf32>,
      %min3A_215 = arith.minimumf %min3A_211, %get3A_214 : vector<16xf32>
      %get3A_216 = arith.index_cast %scan3A_14 : i32 to index
      %get3A_217 = arith.constant 816 : index
      %get3A_218 = tpu.vector_load %arg4[%get3A_216, %get3A_217] {strides = array<i32>} : memref<64x1024xf32, #tpu.memory_space<vmem>>, vector<16xf32>,
      %min3A_219 = arith.minimumf %min3A_215, %get3A_218 : vector<16xf32>
      %get3A_220 = arith.index_cast %scan3A_14 : i32 to index
      %get3A_221 = arith.constant 832 : index
      %get3A_222 = tpu.vector_load %arg4[%get3A_220, %get3A_221] {strides = array<i32>} : memref<64x1024xf32, #tpu.memory_space<vmem>>, vector<16xf32>,
      %min3A_223 = arith.minimumf %min3A_219, %get3A_222 : vector<16xf32>
      %get3A_224 = arith.index_cast %scan3A_14 : i32 to index
      %get3A_225 = arith.constant 848 : index
      %get3A_226 = tpu.vector_load %arg4[%get3A_224, %get3A_225] {strides = array<i32>} : memref<64x1024xf32, #tpu.memory_space<vmem>>, vector<16xf32>,
      %min3A_227 = arith.minimumf %min3A_223, %get3A_226 : vector<16xf32>
      %get3A_228 = arith.index_cast %scan3A_14 : i32 to index
      %get3A_229 = arith.constant 864 : index
      %get3A_230 = tpu.vector_load %arg4[%get3A_228, %get3A_229] {strides = array<i32>} : memref<64x1024xf32, #tpu.memory_space<vmem>>, vector<16xf32>,
      %min3A_231 = arith.minimumf %min3A_227, %get3A_230 : vector<16xf32>
      %get3A_232 = arith.index_cast %scan3A_14 : i32 to index
      %get3A_233 = arith.constant 880 : index
      %get3A_234 = tpu.vector_load %arg4[%get3A_232, %get3A_233] {strides = array<i32>} : memref<64x1024xf32, #tpu.memory_space<vmem>>, vector<16xf32>,
      %min3A_235 = arith.minimumf %min3A_231, %get3A_234 : vector<16xf32>
      %get3A_236 = arith.index_cast %scan3A_14 : i32 to index
      %get3A_237 = arith.constant 896 : index
      %get3A_238 = tpu.vector_load %arg4[%get3A_236, %get3A_237] {strides = array<i32>} : memref<64x1024xf32, #tpu.memory_space<vmem>>, vector<16xf32>,
      %min3A_239 = arith.minimumf %min3A_235, %get3A_238 : vector<16xf32>
      %get3A_240 = arith.index_cast %scan3A_14 : i32 to index
      %get3A_241 = arith.constant 912 : index
      %get3A_242 = tpu.vector_load %arg4[%get3A_240, %get3A_241] {strides = array<i32>} : memref<64x1024xf32, #tpu.memory_space<vmem>>, vector<16xf32>,
      %min3A_243 = arith.minimumf %min3A_239, %get3A_242 : vector<16xf32>
      %get3A_244 = arith.index_cast %scan3A_14 : i32 to index
      %get3A_245 = arith.constant 928 : index
      %get3A_246 = tpu.vector_load %arg4[%get3A_244, %get3A_245] {strides = array<i32>} : memref<64x1024xf32, #tpu.memory_space<vmem>>, vector<16xf32>,
      %min3A_247 = arith.minimumf %min3A_243, %get3A_246 : vector<16xf32>
      %get3A_248 = arith.index_cast %scan3A_14 : i32 to index
      %get3A_249 = arith.constant 944 : index
      %get3A_250 = tpu.vector_load %arg4[%get3A_248, %get3A_249] {strides = array<i32>} : memref<64x1024xf32, #tpu.memory_space<vmem>>, vector<16xf32>,
      %min3A_251 = arith.minimumf %min3A_247, %get3A_250 : vector<16xf32>
      %get3A_252 = arith.index_cast %scan3A_14 : i32 to index
      %get3A_253 = arith.constant 960 : index
      %get3A_254 = tpu.vector_load %arg4[%get3A_252, %get3A_253] {strides = array<i32>} : memref<64x1024xf32, #tpu.memory_space<vmem>>, vector<16xf32>,
      %min3A_255 = arith.minimumf %min3A_251, %get3A_254 : vector<16xf32>
      %get3A_256 = arith.index_cast %scan3A_14 : i32 to index
      %get3A_257 = arith.constant 976 : index
      %get3A_258 = tpu.vector_load %arg4[%get3A_256, %get3A_257] {strides = array<i32>} : memref<64x1024xf32, #tpu.memory_space<vmem>>, vector<16xf32>,
      %min3A_259 = arith.minimumf %min3A_255, %get3A_258 : vector<16xf32>
      %get3A_260 = arith.index_cast %scan3A_14 : i32 to index
      %get3A_261 = arith.constant 992 : index
      %get3A_262 = tpu.vector_load %arg4[%get3A_260, %get3A_261] {strides = array<i32>} : memref<64x1024xf32, #tpu.memory_space<vmem>>, vector<16xf32>,
      %min3A_263 = arith.minimumf %min3A_259, %get3A_262 : vector<16xf32>
      %get3A_264 = arith.index_cast %scan3A_14 : i32 to index
      %get3A_265 = arith.constant 1008 : index
      %get3A_266 = tpu.vector_load %arg4[%get3A_264, %get3A_265] {strides = array<i32>} : memref<64x1024xf32, #tpu.memory_space<vmem>>, vector<16xf32>,
      %min3A_267 = arith.minimumf %min3A_263, %get3A_266 : vector<16xf32>
      %sort3A = arith.constant dense<true> : vector<16xi1>
      %sort3A_268, %sort3A_269, %sort3A_270 = tpu.sort %min3A_267, %min3A_267 masked %sort3A : (vector<16xf32>, vector<16xf32>, vector<16xi1>) -> (vector<16xi1>, vector<16xf32>, vector<16xf32>)
      %slice3A = vector.extract_strided_slice %sort3A_269 {offsets = [15], sizes = [1], strides = [1]} : vector<16xf32> to vector<1xf32>
      %squeeze3A = vector.extract %slice3A[0] : f32 from vector<1xf32>
      %get3A_271 = arith.index_cast %scan3A_14 : i32 to index
      %get3A_272 = arith.constant 0 : index
      %get3A_273 = tpu.vector_load %arg4[%get3A_271, %get3A_272] {strides = array<i32>} : memref<64x1024xf32, #tpu.memory_space<vmem>>, vector<16xf32>,
      %le3A = vector.broadcast %squeeze3A : f32 to vector<16xf32>
      %le3A_274 = arith.cmpf ole, %get3A_273, %le3A : vector<16xf32>
      %swap3A = arith.constant 0 : i32
      %swap3A_275 = arith.index_cast %swap3A : i32 to index
      %swap3A_276 = tpu.vector_load %arg6[%swap3A_275] masked %le3A_274 {strides = array<i32>} : memref<1040xf32, #tpu.memory_space<vmem>>, vector<16xf32>, vector<16xi1>
      tpu.vector_store %arg6[%swap3A_275], %get3A_273 masked %le3A_274 {strides = array<i32>} : memref<1040xf32, #tpu.memory_space<vmem>>, vector<16xf32>, vector<16xi1>
      %all_reduce_population_count3A = tpu.all_reduce %le3A_274 {dim = 0 : i64, kind = #tpu.reduction_kind<sum>} : vector<16xi1> -> vector<16xi32>
      %slice3A_277 = vector.extract_strided_slice %all_reduce_population_count3A {offsets = [0], sizes = [1], strides = [1]} : vector<16xi32> to vector<1xi32>
      %squeeze3A_278 = vector.extract %slice3A_277[0] : i32 from vector<1xi32>
      %add3A_279 = arith.constant 0 : i32
      %add3A_280 = arith.addi %add3A_279, %squeeze3A_278 : i32
      %get3A_281 = arith.index_cast %scan3A_14 : i32 to index
      %get3A_282 = arith.constant 16 : index
      %get3A_283 = tpu.vector_load %arg4[%get3A_281, %get3A_282] {strides = array<i32>} : memref<64x1024xf32, #tpu.memory_space<vmem>>, vector<16xf32>,
      %le3A_284 = vector.broadcast %squeeze3A : f32 to vector<16xf32>
      %le3A_285 = arith.cmpf ole, %get3A_283, %le3A_284 : vector<16xf32>
      %swap3A_286 = arith.index_cast %add3A_280 : i32 to index
      %swap3A_287 = tpu.vector_load %arg6[%swap3A_286] masked %le3A_285 {strides = array<i32>} : memref<1040xf32, #tpu.memory_space<vmem>>, vector<16xf32>, vector<16xi1>
      tpu.vector_store %arg6[%swap3A_286], %get3A_283 masked %le3A_285 {strides = array<i32>} : memref<1040xf32, #tpu.memory_space<vmem>>, vector<16xf32>, vector<16xi1>
      %all_reduce_population_count3A_288 = tpu.all_reduce %le3A_285 {dim = 0 : i64, kind = #tpu.reduction_kind<sum>} : vector<16xi1> -> vector<16xi32>
      %slice3A_289 = vector.extract_strided_slice %all_reduce_population_count3A_288 {offsets = [0], sizes = [1], strides = [1]} : vector<16xi32> to vector<1xi32>
      %squeeze3A_290 = vector.extract %slice3A_289[0] : i32 from vector<1xi32>
      %add3A_291 = arith.addi %add3A_280, %squeeze3A_290 : i32
      %get3A_292 = arith.index_cast %scan3A_14 : i32 to index
      %get3A_293 = arith.constant 32 : index
      %get3A_294 = tpu.vector_load %arg4[%get3A_292, %get3A_293] {strides = array<i32>} : memref<64x1024xf32, #tpu.memory_space<vmem>>, vector<16xf32>,
      %le3A_295 = vector.broadcast %squeeze3A : f32 to vector<16xf32>
      %le3A_296 = arith.cmpf ole, %get3A_294, %le3A_295 : vector<16xf32>
      %swap3A_297 = arith.index_cast %add3A_291 : i32 to index
      %swap3A_298 = tpu.vector_load %arg6[%swap3A_297] masked %le3A_296 {strides = array<i32>} : memref<1040xf32, #tpu.memory_space<vmem>>, vector<16xf32>, vector<16xi1>
      tpu.vector_store %arg6[%swap3A_297], %get3A_294 masked %le3A_296 {strides = array<i32>} : memref<1040xf32, #tpu.memory_space<vmem>>, vector<16xf32>, vector<16xi1>
      %all_reduce_population_count3A_299 = tpu.all_reduce %le3A_296 {dim = 0 : i64, kind = #tpu.reduction_kind<sum>} : vector<16xi1> -> vector<16xi32>
      %slice3A_300 = vector.extract_strided_slice %all_reduce_population_count3A_299 {offsets = [0], sizes = [1], strides = [1]} : vector<16xi32> to vector<1xi32>
      %squeeze3A_301 = vector.extract %slice3A_300[0] : i32 from vector<1xi32>
      %add3A_302 = arith.addi %add3A_291, %squeeze3A_301 : i32
      %get3A_303 = arith.index_cast %scan3A_14 : i32 to index
      %get3A_304 = arith.constant 48 : index
      %get3A_305 = tpu.vector_load %arg4[%get3A_303, %get3A_304] {strides = array<i32>} : memref<64x1024xf32, #tpu.memory_space<vmem>>, vector<16xf32>,
      %le3A_306 = vector.broadcast %squeeze3A : f32 to vector<16xf32>
      %le3A_307 = arith.cmpf ole, %get3A_305, %le3A_306 : vector<16xf32>
      %swap3A_308 = arith.index_cast %add3A_302 : i32 to index
      %swap3A_309 = tpu.vector_load %arg6[%swap3A_308] masked %le3A_307 {strides = array<i32>} : memref<1040xf32, #tpu.memory_space<vmem>>, vector<16xf32>, vector<16xi1>
      tpu.vector_store %arg6[%swap3A_308], %get3A_305 masked %le3A_307 {strides = array<i32>} : memref<1040xf32, #tpu.memory_space<vmem>>, vector<16xf32>, vector<16xi1>
      %all_reduce_population_count3A_310 = tpu.all_reduce %le3A_307 {dim = 0 : i64, kind = #tpu.reduction_kind<sum>} : vector<16xi1> -> vector<16xi32>
      %slice3A_311 = vector.extract_strided_slice %all_reduce_population_count3A_310 {offsets = [0], sizes = [1], strides = [1]} : vector<16xi32> to vector<1xi32>
      %squeeze3A_312 = vector.extract %slice3A_311[0] : i32 from vector<1xi32>
      %add3A_313 = arith.addi %add3A_302, %squeeze3A_312 : i32
      %get3A_314 = arith.index_cast %scan3A_14 : i32 to index
      %get3A_315 = arith.constant 64 : index
      %get3A_316 = tpu.vector_load %arg4[%get3A_314, %get3A_315] {strides = array<i32>} : memref<64x1024xf32, #tpu.memory_space<vmem>>, vector<16xf32>,
      %le3A_317 = vector.broadcast %squeeze3A : f32 to vector<16xf32>
      %le3A_318 = arith.cmpf ole, %get3A_316, %le3A_317 : vector<16xf32>
      %swap3A_319 = arith.index_cast %add3A_313 : i32 to index
      %swap3A_320 = tpu.vector_load %arg6[%swap3A_319] masked %le3A_318 {strides = array<i32>} : memref<1040xf32, #tpu.memory_space<vmem>>, vector<16xf32>, vector<16xi1>
      tpu.vector_store %arg6[%swap3A_319], %get3A_316 masked %le3A_318 {strides = array<i32>} : memref<1040xf32, #tpu.memory_space<vmem>>, vector<16xf32>, vector<16xi1>
      %all_reduce_population_count3A_321 = tpu.all_reduce %le3A_318 {dim = 0 : i64, kind = #tpu.reduction_kind<sum>} : vector<16xi1> -> vector<16xi32>
      %slice3A_322 = vector.extract_strided_slice %all_reduce_population_count3A_321 {offsets = [0], sizes = [1], strides = [1]} : vector<16xi32> to vector<1xi32>
      %squeeze3A_323 = vector.extract %slice3A_322[0] : i32 from vector<1xi32>
      %add3A_324 = arith.addi %add3A_313, %squeeze3A_323 : i32
      %get3A_325 = arith.index_cast %scan3A_14 : i32 to index
      %get3A_326 = arith.constant 80 : index
      %get3A_327 = tpu.vector_load %arg4[%get3A_325, %get3A_326] {strides = array<i32>} : memref<64x1024xf32, #tpu.memory_space<vmem>>, vector<16xf32>,
      %le3A_328 = vector.broadcast %squeeze3A : f32 to vector<16xf32>
      %le3A_329 = arith.cmpf ole, %get3A_327, %le3A_328 : vector<16xf32>
      %swap3A_330 = arith.index_cast %add3A_324 : i32 to index
      %swap3A_331 = tpu.vector_load %arg6[%swap3A_330] masked %le3A_329 {strides = array<i32>} : memref<1040xf32, #tpu.memory_space<vmem>>, vector<16xf32>, vector<16xi1>
      tpu.vector_store %arg6[%swap3A_330], %get3A_327 masked %le3A_329 {strides = array<i32>} : memref<1040xf32, #tpu.memory_space<vmem>>, vector<16xf32>, vector<16xi1>
      %all_reduce_population_count3A_332 = tpu.all_reduce %le3A_329 {dim = 0 : i64, kind = #tpu.reduction_kind<sum>} : vector<16xi1> -> vector<16xi32>
      %slice3A_333 = vector.extract_strided_slice %all_reduce_population_count3A_332 {offsets = [0], sizes = [1], strides = [1]} : vector<16xi32> to vector<1xi32>
      %squeeze3A_334 = vector.extract %slice3A_333[0] : i32 from vector<1xi32>
      %add3A_335 = arith.addi %add3A_324, %squeeze3A_334 : i32
      %get3A_336 = arith.index_cast %scan3A_14 : i32 to index
      %get3A_337 = arith.constant 96 : index
      %get3A_338 = tpu.vector_load %arg4[%get3A_336, %get3A_337] {strides = array<i32>} : memref<64x1024xf32, #tpu.memory_space<vmem>>, vector<16xf32>,
      %le3A_339 = vector.broadcast %squeeze3A : f32 to vector<16xf32>
      %le3A_340 = arith.cmpf ole, %get3A_338, %le3A_339 : vector<16xf32>
      %swap3A_341 = arith.index_cast %add3A_335 : i32 to index
      %swap3A_342 = tpu.vector_load %arg6[%swap3A_341] masked %le3A_340 {strides = array<i32>} : memref<1040xf32, #tpu.memory_space<vmem>>, vector<16xf32>, vector<16xi1>
      tpu.vector_store %arg6[%swap3A_341], %get3A_338 masked %le3A_340 {strides = array<i32>} : memref<1040xf32, #tpu.memory_space<vmem>>, vector<16xf32>, vector<16xi1>
      %all_reduce_population_count3A_343 = tpu.all_reduce %le3A_340 {dim = 0 : i64, kind = #tpu.reduction_kind<sum>} : vector<16xi1> -> vector<16xi32>
      %slice3A_344 = vector.extract_strided_slice %all_reduce_population_count3A_343 {offsets = [0], sizes = [1], strides = [1]} : vector<16xi32> to vector<1xi32>
      %squeeze3A_345 = vector.extract %slice3A_344[0] : i32 from vector<1xi32>
      %add3A_346 = arith.addi %add3A_335, %squeeze3A_345 : i32
      %get3A_347 = arith.index_cast %scan3A_14 : i32 to index
      %get3A_348 = arith.constant 112 : index
      %get3A_349 = tpu.vector_load %arg4[%get3A_347, %get3A_348] {strides = array<i32>} : memref<64x1024xf32, #tpu.memory_space<vmem>>, vector<16xf32>,
      %le3A_350 = vector.broadcast %squeeze3A : f32 to vector<16xf32>
      %le3A_351 = arith.cmpf ole, %get3A_349, %le3A_350 : vector<16xf32>
      %swap3A_352 = arith.index_cast %add3A_346 : i32 to index
      %swap3A_353 = tpu.vector_load %arg6[%swap3A_352] masked %le3A_351 {strides = array<i32>} : memref<1040xf32, #tpu.memory_space<vmem>>, vector<16xf32>, vector<16xi1>
      tpu.vector_store %arg6[%swap3A_352], %get3A_349 masked %le3A_351 {strides = array<i32>} : memref<1040xf32, #tpu.memory_space<vmem>>, vector<16xf32>, vector<16xi1>
      %all_reduce_population_count3A_354 = tpu.all_reduce %le3A_351 {dim = 0 : i64, kind = #tpu.reduction_kind<sum>} : vector<16xi1> -> vector<16xi32>
      %slice3A_355 = vector.extract_strided_slice %all_reduce_population_count3A_354 {offsets = [0], sizes = [1], strides = [1]} : vector<16xi32> to vector<1xi32>
      %squeeze3A_356 = vector.extract %slice3A_355[0] : i32 from vector<1xi32>
      %add3A_357 = arith.addi %add3A_346, %squeeze3A_356 : i32
      %get3A_358 = arith.index_cast %scan3A_14 : i32 to index
      %get3A_359 = arith.constant 128 : index
      %get3A_360 = tpu.vector_load %arg4[%get3A_358, %get3A_359] {strides = array<i32>} : memref<64x1024xf32, #tpu.memory_space<vmem>>, vector<16xf32>,
      %le3A_361 = vector.broadcast %squeeze3A : f32 to vector<16xf32>
      %le3A_362 = arith.cmpf ole, %get3A_360, %le3A_361 : vector<16xf32>
      %swap3A_363 = arith.index_cast %add3A_357 : i32 to index
      %swap3A_364 = tpu.vector_load %arg6[%swap3A_363] masked %le3A_362 {strides = array<i32>} : memref<1040xf32, #tpu.memory_space<vmem>>, vector<16xf32>, vector<16xi1>
      tpu.vector_store %arg6[%swap3A_363], %get3A_360 masked %le3A_362 {strides = array<i32>} : memref<1040xf32, #tpu.memory_space<vmem>>, vector<16xf32>, vector<16xi1>
      %all_reduce_population_count3A_365 = tpu.all_reduce %le3A_362 {dim = 0 : i64, kind = #tpu.reduction_kind<sum>} : vector<16xi1> -> vector<16xi32>
      %slice3A_366 = vector.extract_strided_slice %all_reduce_population_count3A_365 {offsets = [0], sizes = [1], strides = [1]} : vector<16xi32> to vector<1xi32>
      %squeeze3A_367 = vector.extract %slice3A_366[0] : i32 from vector<1xi32>
      %add3A_368 = arith.addi %add3A_357, %squeeze3A_367 : i32
      %get3A_369 = arith.index_cast %scan3A_14 : i32 to index
      %get3A_370 = arith.constant 144 : index
      %get3A_371 = tpu.vector_load %arg4[%get3A_369, %get3A_370] {strides = array<i32>} : memref<64x1024xf32, #tpu.memory_space<vmem>>, vector<16xf32>,
      %le3A_372 = vector.broadcast %squeeze3A : f32 to vector<16xf32>
      %le3A_373 = arith.cmpf ole, %get3A_371, %le3A_372 : vector<16xf32>
      %swap3A_374 = arith.index_cast %add3A_368 : i32 to index
      %swap3A_375 = tpu.vector_load %arg6[%swap3A_374] masked %le3A_373 {strides = array<i32>} : memref<1040xf32, #tpu.memory_space<vmem>>, vector<16xf32>, vector<16xi1>
      tpu.vector_store %arg6[%swap3A_374], %get3A_371 masked %le3A_373 {strides = array<i32>} : memref<1040xf32, #tpu.memory_space<vmem>>, vector<16xf32>, vector<16xi1>
      %all_reduce_population_count3A_376 = tpu.all_reduce %le3A_373 {dim = 0 : i64, kind = #tpu.reduction_kind<sum>} : vector<16xi1> -> vector<16xi32>
      %slice3A_377 = vector.extract_strided_slice %all_reduce_population_count3A_376 {offsets = [0], sizes = [1], strides = [1]} : vector<16xi32> to vector<1xi32>
      %squeeze3A_378 = vector.extract %slice3A_377[0] : i32 from vector<1xi32>
      %add3A_379 = arith.addi %add3A_368, %squeeze3A_378 : i32
      %get3A_380 = arith.index_cast %scan3A_14 : i32 to index
      %get3A_381 = arith.constant 160 : index
      %get3A_382 = tpu.vector_load %arg4[%get3A_380, %get3A_381] {strides = array<i32>} : memref<64x1024xf32, #tpu.memory_space<vmem>>, vector<16xf32>,
      %le3A_383 = vector.broadcast %squeeze3A : f32 to vector<16xf32>
      %le3A_384 = arith.cmpf ole, %get3A_382, %le3A_383 : vector<16xf32>
      %swap3A_385 = arith.index_cast %add3A_379 : i32 to index
      %swap3A_386 = tpu.vector_load %arg6[%swap3A_385] masked %le3A_384 {strides = array<i32>} : memref<1040xf32, #tpu.memory_space<vmem>>, vector<16xf32>, vector<16xi1>
      tpu.vector_store %arg6[%swap3A_385], %get3A_382 masked %le3A_384 {strides = array<i32>} : memref<1040xf32, #tpu.memory_space<vmem>>, vector<16xf32>, vector<16xi1>
      %all_reduce_population_count3A_387 = tpu.all_reduce %le3A_384 {dim = 0 : i64, kind = #tpu.reduction_kind<sum>} : vector<16xi1> -> vector<16xi32>
      %slice3A_388 = vector.extract_strided_slice %all_reduce_population_count3A_387 {offsets = [0], sizes = [1], strides = [1]} : vector<16xi32> to vector<1xi32>
      %squeeze3A_389 = vector.extract %slice3A_388[0] : i32 from vector<1xi32>
      %add3A_390 = arith.addi %add3A_379, %squeeze3A_389 : i32
      %get3A_391 = arith.index_cast %scan3A_14 : i32 to index
      %get3A_392 = arith.constant 176 : index
      %get3A_393 = tpu.vector_load %arg4[%get3A_391, %get3A_392] {strides = array<i32>} : memref<64x1024xf32, #tpu.memory_space<vmem>>, vector<16xf32>,
      %le3A_394 = vector.broadcast %squeeze3A : f32 to vector<16xf32>
      %le3A_395 = arith.cmpf ole, %get3A_393, %le3A_394 : vector<16xf32>
      %swap3A_396 = arith.index_cast %add3A_390 : i32 to index
      %swap3A_397 = tpu.vector_load %arg6[%swap3A_396] masked %le3A_395 {strides = array<i32>} : memref<1040xf32, #tpu.memory_space<vmem>>, vector<16xf32>, vector<16xi1>
      tpu.vector_store %arg6[%swap3A_396], %get3A_393 masked %le3A_395 {strides = array<i32>} : memref<1040xf32, #tpu.memory_space<vmem>>, vector<16xf32>, vector<16xi1>
      %all_reduce_population_count3A_398 = tpu.all_reduce %le3A_395 {dim = 0 : i64, kind = #tpu.reduction_kind<sum>} : vector<16xi1> -> vector<16xi32>
      %slice3A_399 = vector.extract_strided_slice %all_reduce_population_count3A_398 {offsets = [0], sizes = [1], strides = [1]} : vector<16xi32> to vector<1xi32>
      %squeeze3A_400 = vector.extract %slice3A_399[0] : i32 from vector<1xi32>
      %add3A_401 = arith.addi %add3A_390, %squeeze3A_400 : i32
      %get3A_402 = arith.index_cast %scan3A_14 : i32 to index
      %get3A_403 = arith.constant 192 : index
      %get3A_404 = tpu.vector_load %arg4[%get3A_402, %get3A_403] {strides = array<i32>} : memref<64x1024xf32, #tpu.memory_space<vmem>>, vector<16xf32>,
      %le3A_405 = vector.broadcast %squeeze3A : f32 to vector<16xf32>
      %le3A_406 = arith.cmpf ole, %get3A_404, %le3A_405 : vector<16xf32>
      %swap3A_407 = arith.index_cast %add3A_401 : i32 to index
      %swap3A_408 = tpu.vector_load %arg6[%swap3A_407] masked %le3A_406 {strides = array<i32>} : memref<1040xf32, #tpu.memory_space<vmem>>, vector<16xf32>, vector<16xi1>
      tpu.vector_store %arg6[%swap3A_407], %get3A_404 masked %le3A_406 {strides = array<i32>} : memref<1040xf32, #tpu.memory_space<vmem>>, vector<16xf32>, vector<16xi1>
      %all_reduce_population_count3A_409 = tpu.all_reduce %le3A_406 {dim = 0 : i64, kind = #tpu.reduction_kind<sum>} : vector<16xi1> -> vector<16xi32>
      %slice3A_410 = vector.extract_strided_slice %all_reduce_population_count3A_409 {offsets = [0], sizes = [1], strides = [1]} : vector<16xi32> to vector<1xi32>
      %squeeze3A_411 = vector.extract %slice3A_410[0] : i32 from vector<1xi32>
      %add3A_412 = arith.addi %add3A_401, %squeeze3A_411 : i32
      %get3A_413 = arith.index_cast %scan3A_14 : i32 to index
      %get3A_414 = arith.constant 208 : index
      %get3A_415 = tpu.vector_load %arg4[%get3A_413, %get3A_414] {strides = array<i32>} : memref<64x1024xf32, #tpu.memory_space<vmem>>, vector<16xf32>,
      %le3A_416 = vector.broadcast %squeeze3A : f32 to vector<16xf32>
      %le3A_417 = arith.cmpf ole, %get3A_415, %le3A_416 : vector<16xf32>
      %swap3A_418 = arith.index_cast %add3A_412 : i32 to index
      %swap3A_419 = tpu.vector_load %arg6[%swap3A_418] masked %le3A_417 {strides = array<i32>} : memref<1040xf32, #tpu.memory_space<vmem>>, vector<16xf32>, vector<16xi1>
      tpu.vector_store %arg6[%swap3A_418], %get3A_415 masked %le3A_417 {strides = array<i32>} : memref<1040xf32, #tpu.memory_space<vmem>>, vector<16xf32>, vector<16xi1>
      %all_reduce_population_count3A_420 = tpu.all_reduce %le3A_417 {dim = 0 : i64, kind = #tpu.reduction_kind<sum>} : vector<16xi1> -> vector<16xi32>
      %slice3A_421 = vector.extract_strided_slice %all_reduce_population_count3A_420 {offsets = [0], sizes = [1], strides = [1]} : vector<16xi32> to vector<1xi32>
      %squeeze3A_422 = vector.extract %slice3A_421[0] : i32 from vector<1xi32>
      %add3A_423 = arith.addi %add3A_412, %squeeze3A_422 : i32
      %get3A_424 = arith.index_cast %scan3A_14 : i32 to index
      %get3A_425 = arith.constant 224 : index
      %get3A_426 = tpu.vector_load %arg4[%get3A_424, %get3A_425] {strides = array<i32>} : memref<64x1024xf32, #tpu.memory_space<vmem>>, vector<16xf32>,
      %le3A_427 = vector.broadcast %squeeze3A : f32 to vector<16xf32>
      %le3A_428 = arith.cmpf ole, %get3A_426, %le3A_427 : vector<16xf32>
      %swap3A_429 = arith.index_cast %add3A_423 : i32 to index
      %swap3A_430 = tpu.vector_load %arg6[%swap3A_429] masked %le3A_428 {strides = array<i32>} : memref<1040xf32, #tpu.memory_space<vmem>>, vector<16xf32>, vector<16xi1>
      tpu.vector_store %arg6[%swap3A_429], %get3A_426 masked %le3A_428 {strides = array<i32>} : memref<1040xf32, #tpu.memory_space<vmem>>, vector<16xf32>, vector<16xi1>
      %all_reduce_population_count3A_431 = tpu.all_reduce %le3A_428 {dim = 0 : i64, kind = #tpu.reduction_kind<sum>} : vector<16xi1> -> vector<16xi32>
      %slice3A_432 = vector.extract_strided_slice %all_reduce_population_count3A_431 {offsets = [0], sizes = [1], strides = [1]} : vector<16xi32> to vector<1xi32>
      %squeeze3A_433 = vector.extract %slice3A_432[0] : i32 from vector<1xi32>
      %add3A_434 = arith.addi %add3A_423, %squeeze3A_433 : i32
      %get3A_435 = arith.index_cast %scan3A_14 : i32 to index
      %get3A_436 = arith.constant 240 : index
      %get3A_437 = tpu.vector_load %arg4[%get3A_435, %get3A_436] {strides = array<i32>} : memref<64x1024xf32, #tpu.memory_space<vmem>>, vector<16xf32>,
      %le3A_438 = vector.broadcast %squeeze3A : f32 to vector<16xf32>
      %le3A_439 = arith.cmpf ole, %get3A_437, %le3A_438 : vector<16xf32>
      %swap3A_440 = arith.index_cast %add3A_434 : i32 to index
      %swap3A_441 = tpu.vector_load %arg6[%swap3A_440] masked %le3A_439 {strides = array<i32>} : memref<1040xf32, #tpu.memory_space<vmem>>, vector<16xf32>, vector<16xi1>
      tpu.vector_store %arg6[%swap3A_440], %get3A_437 masked %le3A_439 {strides = array<i32>} : memref<1040xf32, #tpu.memory_space<vmem>>, vector<16xf32>, vector<16xi1>
      %all_reduce_population_count3A_442 = tpu.all_reduce %le3A_439 {dim = 0 : i64, kind = #tpu.reduction_kind<sum>} : vector<16xi1> -> vector<16xi32>
      %slice3A_443 = vector.extract_strided_slice %all_reduce_population_count3A_442 {offsets = [0], sizes = [1], strides = [1]} : vector<16xi32> to vector<1xi32>
      %squeeze3A_444 = vector.extract %slice3A_443[0] : i32 from vector<1xi32>
      %add3A_445 = arith.addi %add3A_434, %squeeze3A_444 : i32
      %get3A_446 = arith.index_cast %scan3A_14 : i32 to index
      %get3A_447 = arith.constant 256 : index
      %get3A_448 = tpu.vector_load %arg4[%get3A_446, %get3A_447] {strides = array<i32>} : memref<64x1024xf32, #tpu.memory_space<vmem>>, vector<16xf32>,
      %le3A_449 = vector.broadcast %squeeze3A : f32 to vector<16xf32>
      %le3A_450 = arith.cmpf ole, %get3A_448, %le3A_449 : vector<16xf32>
      %swap3A_451 = arith.index_cast %add3A_445 : i32 to index
      %swap3A_452 = tpu.vector_load %arg6[%swap3A_451] masked %le3A_450 {strides = array<i32>} : memref<1040xf32, #tpu.memory_space<vmem>>, vector<16xf32>, vector<16xi1>
      tpu.vector_store %arg6[%swap3A_451], %get3A_448 masked %le3A_450 {strides = array<i32>} : memref<1040xf32, #tpu.memory_space<vmem>>, vector<16xf32>, vector<16xi1>
      %all_reduce_population_count3A_453 = tpu.all_reduce %le3A_450 {dim = 0 : i64, kind = #tpu.reduction_kind<sum>} : vector<16xi1> -> vector<16xi32>
      %slice3A_454 = vector.extract_strided_slice %all_reduce_population_count3A_453 {offsets = [0], sizes = [1], strides = [1]} : vector<16xi32> to vector<1xi32>
      %squeeze3A_455 = vector.extract %slice3A_454[0] : i32 from vector<1xi32>
      %add3A_456 = arith.addi %add3A_445, %squeeze3A_455 : i32
      %get3A_457 = arith.index_cast %scan3A_14 : i32 to index
      %get3A_458 = arith.constant 272 : index
      %get3A_459 = tpu.vector_load %arg4[%get3A_457, %get3A_458] {strides = array<i32>} : memref<64x1024xf32, #tpu.memory_space<vmem>>, vector<16xf32>,
      %le3A_460 = vector.broadcast %squeeze3A : f32 to vector<16xf32>
      %le3A_461 = arith.cmpf ole, %get3A_459, %le3A_460 : vector<16xf32>
      %swap3A_462 = arith.index_cast %add3A_456 : i32 to index
      %swap3A_463 = tpu.vector_load %arg6[%swap3A_462] masked %le3A_461 {strides = array<i32>} : memref<1040xf32, #tpu.memory_space<vmem>>, vector<16xf32>, vector<16xi1>
      tpu.vector_store %arg6[%swap3A_462], %get3A_459 masked %le3A_461 {strides = array<i32>} : memref<1040xf32, #tpu.memory_space<vmem>>, vector<16xf32>, vector<16xi1>
      %all_reduce_population_count3A_464 = tpu.all_reduce %le3A_461 {dim = 0 : i64, kind = #tpu.reduction_kind<sum>} : vector<16xi1> -> vector<16xi32>
      %slice3A_465 = vector.extract_strided_slice %all_reduce_population_count3A_464 {offsets = [0], sizes = [1], strides = [1]} : vector<16xi32> to vector<1xi32>
      %squeeze3A_466 = vector.extract %slice3A_465[0] : i32 from vector<1xi32>
      %add3A_467 = arith.addi %add3A_456, %squeeze3A_466 : i32
      %get3A_468 = arith.index_cast %scan3A_14 : i32 to index
      %get3A_469 = arith.constant 288 : index
      %get3A_470 = tpu.vector_load %arg4[%get3A_468, %get3A_469] {strides = array<i32>} : memref<64x1024xf32, #tpu.memory_space<vmem>>, vector<16xf32>,
      %le3A_471 = vector.broadcast %squeeze3A : f32 to vector<16xf32>
      %le3A_472 = arith.cmpf ole, %get3A_470, %le3A_471 : vector<16xf32>
      %swap3A_473 = arith.index_cast %add3A_467 : i32 to index
      %swap3A_474 = tpu.vector_load %arg6[%swap3A_473] masked %le3A_472 {strides = array<i32>} : memref<1040xf32, #tpu.memory_space<vmem>>, vector<16xf32>, vector<16xi1>
      tpu.vector_store %arg6[%swap3A_473], %get3A_470 masked %le3A_472 {strides = array<i32>} : memref<1040xf32, #tpu.memory_space<vmem>>, vector<16xf32>, vector<16xi1>
      %all_reduce_population_count3A_475 = tpu.all_reduce %le3A_472 {dim = 0 : i64, kind = #tpu.reduction_kind<sum>} : vector<16xi1> -> vector<16xi32>
      %slice3A_476 = vector.extract_strided_slice %all_reduce_population_count3A_475 {offsets = [0], sizes = [1], strides = [1]} : vector<16xi32> to vector<1xi32>
      %squeeze3A_477 = vector.extract %slice3A_476[0] : i32 from vector<1xi32>
      %add3A_478 = arith.addi %add3A_467, %squeeze3A_477 : i32
      %get3A_479 = arith.index_cast %scan3A_14 : i32 to index
      %get3A_480 = arith.constant 304 : index
      %get3A_481 = tpu.vector_load %arg4[%get3A_479, %get3A_480] {strides = array<i32>} : memref<64x1024xf32, #tpu.memory_space<vmem>>, vector<16xf32>,
      %le3A_482 = vector.broadcast %squeeze3A : f32 to vector<16xf32>
      %le3A_483 = arith.cmpf ole, %get3A_481, %le3A_482 : vector<16xf32>
      %swap3A_484 = arith.index_cast %add3A_478 : i32 to index
      %swap3A_485 = tpu.vector_load %arg6[%swap3A_484] masked %le3A_483 {strides = array<i32>} : memref<1040xf32, #tpu.memory_space<vmem>>, vector<16xf32>, vector<16xi1>
      tpu.vector_store %arg6[%swap3A_484], %get3A_481 masked %le3A_483 {strides = array<i32>} : memref<1040xf32, #tpu.memory_space<vmem>>, vector<16xf32>, vector<16xi1>
      %all_reduce_population_count3A_486 = tpu.all_reduce %le3A_483 {dim = 0 : i64, kind = #tpu.reduction_kind<sum>} : vector<16xi1> -> vector<16xi32>
      %slice3A_487 = vector.extract_strided_slice %all_reduce_population_count3A_486 {offsets = [0], sizes = [1], strides = [1]} : vector<16xi32> to vector<1xi32>
      %squeeze3A_488 = vector.extract %slice3A_487[0] : i32 from vector<1xi32>
      %add3A_489 = arith.addi %add3A_478, %squeeze3A_488 : i32
      %get3A_490 = arith.index_cast %scan3A_14 : i32 to index
      %get3A_491 = arith.constant 320 : index
      %get3A_492 = tpu.vector_load %arg4[%get3A_490, %get3A_491] {strides = array<i32>} : memref<64x1024xf32, #tpu.memory_space<vmem>>, vector<16xf32>,
      %le3A_493 = vector.broadcast %squeeze3A : f32 to vector<16xf32>
      %le3A_494 = arith.cmpf ole, %get3A_492, %le3A_493 : vector<16xf32>
      %swap3A_495 = arith.index_cast %add3A_489 : i32 to index
      %swap3A_496 = tpu.vector_load %arg6[%swap3A_495] masked %le3A_494 {strides = array<i32>} : memref<1040xf32, #tpu.memory_space<vmem>>, vector<16xf32>, vector<16xi1>
      tpu.vector_store %arg6[%swap3A_495], %get3A_492 masked %le3A_494 {strides = array<i32>} : memref<1040xf32, #tpu.memory_space<vmem>>, vector<16xf32>, vector<16xi1>
      %all_reduce_population_count3A_497 = tpu.all_reduce %le3A_494 {dim = 0 : i64, kind = #tpu.reduction_kind<sum>} : vector<16xi1> -> vector<16xi32>
      %slice3A_498 = vector.extract_strided_slice %all_reduce_population_count3A_497 {offsets = [0], sizes = [1], strides = [1]} : vector<16xi32> to vector<1xi32>
      %squeeze3A_499 = vector.extract %slice3A_498[0] : i32 from vector<1xi32>
      %add3A_500 = arith.addi %add3A_489, %squeeze3A_499 : i32
      %get3A_501 = arith.index_cast %scan3A_14 : i32 to index
      %get3A_502 = arith.constant 336 : index
      %get3A_503 = tpu.vector_load %arg4[%get3A_501, %get3A_502] {strides = array<i32>} : memref<64x1024xf32, #tpu.memory_space<vmem>>, vector<16xf32>,
      %le3A_504 = vector.broadcast %squeeze3A : f32 to vector<16xf32>
      %le3A_505 = arith.cmpf ole, %get3A_503, %le3A_504 : vector<16xf32>
      %swap3A_506 = arith.index_cast %add3A_500 : i32 to index
      %swap3A_507 = tpu.vector_load %arg6[%swap3A_506] masked %le3A_505 {strides = array<i32>} : memref<1040xf32, #tpu.memory_space<vmem>>, vector<16xf32>, vector<16xi1>
      tpu.vector_store %arg6[%swap3A_506], %get3A_503 masked %le3A_505 {strides = array<i32>} : memref<1040xf32, #tpu.memory_space<vmem>>, vector<16xf32>, vector<16xi1>
      %all_reduce_population_count3A_508 = tpu.all_reduce %le3A_505 {dim = 0 : i64, kind = #tpu.reduction_kind<sum>} : vector<16xi1> -> vector<16xi32>
      %slice3A_509 = vector.extract_strided_slice %all_reduce_population_count3A_508 {offsets = [0], sizes = [1], strides = [1]} : vector<16xi32> to vector<1xi32>
      %squeeze3A_510 = vector.extract %slice3A_509[0] : i32 from vector<1xi32>
      %add3A_511 = arith.addi %add3A_500, %squeeze3A_510 : i32
      %get3A_512 = arith.index_cast %scan3A_14 : i32 to index
      %get3A_513 = arith.constant 352 : index
      %get3A_514 = tpu.vector_load %arg4[%get3A_512, %get3A_513] {strides = array<i32>} : memref<64x1024xf32, #tpu.memory_space<vmem>>, vector<16xf32>,
      %le3A_515 = vector.broadcast %squeeze3A : f32 to vector<16xf32>
      %le3A_516 = arith.cmpf ole, %get3A_514, %le3A_515 : vector<16xf32>
      %swap3A_517 = arith.index_cast %add3A_511 : i32 to index
      %swap3A_518 = tpu.vector_load %arg6[%swap3A_517] masked %le3A_516 {strides = array<i32>} : memref<1040xf32, #tpu.memory_space<vmem>>, vector<16xf32>, vector<16xi1>
      tpu.vector_store %arg6[%swap3A_517], %get3A_514 masked %le3A_516 {strides = array<i32>} : memref<1040xf32, #tpu.memory_space<vmem>>, vector<16xf32>, vector<16xi1>
      %all_reduce_population_count3A_519 = tpu.all_reduce %le3A_516 {dim = 0 : i64, kind = #tpu.reduction_kind<sum>} : vector<16xi1> -> vector<16xi32>
      %slice3A_520 = vector.extract_strided_slice %all_reduce_population_count3A_519 {offsets = [0], sizes = [1], strides = [1]} : vector<16xi32> to vector<1xi32>
      %squeeze3A_521 = vector.extract %slice3A_520[0] : i32 from vector<1xi32>
      %add3A_522 = arith.addi %add3A_511, %squeeze3A_521 : i32
      %get3A_523 = arith.index_cast %scan3A_14 : i32 to index
      %get3A_524 = arith.constant 368 : index
      %get3A_525 = tpu.vector_load %arg4[%get3A_523, %get3A_524] {strides = array<i32>} : memref<64x1024xf32, #tpu.memory_space<vmem>>, vector<16xf32>,
      %le3A_526 = vector.broadcast %squeeze3A : f32 to vector<16xf32>
      %le3A_527 = arith.cmpf ole, %get3A_525, %le3A_526 : vector<16xf32>
      %swap3A_528 = arith.index_cast %add3A_522 : i32 to index
      %swap3A_529 = tpu.vector_load %arg6[%swap3A_528] masked %le3A_527 {strides = array<i32>} : memref<1040xf32, #tpu.memory_space<vmem>>, vector<16xf32>, vector<16xi1>
      tpu.vector_store %arg6[%swap3A_528], %get3A_525 masked %le3A_527 {strides = array<i32>} : memref<1040xf32, #tpu.memory_space<vmem>>, vector<16xf32>, vector<16xi1>
      %all_reduce_population_count3A_530 = tpu.all_reduce %le3A_527 {dim = 0 : i64, kind = #tpu.reduction_kind<sum>} : vector<16xi1> -> vector<16xi32>
      %slice3A_531 = vector.extract_strided_slice %all_reduce_population_count3A_530 {offsets = [0], sizes = [1], strides = [1]} : vector<16xi32> to vector<1xi32>
      %squeeze3A_532 = vector.extract %slice3A_531[0] : i32 from vector<1xi32>
      %add3A_533 = arith.addi %add3A_522, %squeeze3A_532 : i32
      %get3A_534 = arith.index_cast %scan3A_14 : i32 to index
      %get3A_535 = arith.constant 384 : index
      %get3A_536 = tpu.vector_load %arg4[%get3A_534, %get3A_535] {strides = array<i32>} : memref<64x1024xf32, #tpu.memory_space<vmem>>, vector<16xf32>,
      %le3A_537 = vector.broadcast %squeeze3A : f32 to vector<16xf32>
      %le3A_538 = arith.cmpf ole, %get3A_536, %le3A_537 : vector<16xf32>
      %swap3A_539 = arith.index_cast %add3A_533 : i32 to index
      %swap3A_540 = tpu.vector_load %arg6[%swap3A_539] masked %le3A_538 {strides = array<i32>} : memref<1040xf32, #tpu.memory_space<vmem>>, vector<16xf32>, vector<16xi1>
      tpu.vector_store %arg6[%swap3A_539], %get3A_536 masked %le3A_538 {strides = array<i32>} : memref<1040xf32, #tpu.memory_space<vmem>>, vector<16xf32>, vector<16xi1>
      %all_reduce_population_count3A_541 = tpu.all_reduce %le3A_538 {dim = 0 : i64, kind = #tpu.reduction_kind<sum>} : vector<16xi1> -> vector<16xi32>
      %slice3A_542 = vector.extract_strided_slice %all_reduce_population_count3A_541 {offsets = [0], sizes = [1], strides = [1]} : vector<16xi32> to vector<1xi32>
      %squeeze3A_543 = vector.extract %slice3A_542[0] : i32 from vector<1xi32>
      %add3A_544 = arith.addi %add3A_533, %squeeze3A_543 : i32
      %get3A_545 = arith.index_cast %scan3A_14 : i32 to index
      %get3A_546 = arith.constant 400 : index
      %get3A_547 = tpu.vector_load %arg4[%get3A_545, %get3A_546] {strides = array<i32>} : memref<64x1024xf32, #tpu.memory_space<vmem>>, vector<16xf32>,
      %le3A_548 = vector.broadcast %squeeze3A : f32 to vector<16xf32>
      %le3A_549 = arith.cmpf ole, %get3A_547, %le3A_548 : vector<16xf32>
      %swap3A_550 = arith.index_cast %add3A_544 : i32 to index
      %swap3A_551 = tpu.vector_load %arg6[%swap3A_550] masked %le3A_549 {strides = array<i32>} : memref<1040xf32, #tpu.memory_space<vmem>>, vector<16xf32>, vector<16xi1>
      tpu.vector_store %arg6[%swap3A_550], %get3A_547 masked %le3A_549 {strides = array<i32>} : memref<1040xf32, #tpu.memory_space<vmem>>, vector<16xf32>, vector<16xi1>
      %all_reduce_population_count3A_552 = tpu.all_reduce %le3A_549 {dim = 0 : i64, kind = #tpu.reduction_kind<sum>} : vector<16xi1> -> vector<16xi32>
      %slice3A_553 = vector.extract_strided_slice %all_reduce_population_count3A_552 {offsets = [0], sizes = [1], strides = [1]} : vector<16xi32> to vector<1xi32>
      %squeeze3A_554 = vector.extract %slice3A_553[0] : i32 from vector<1xi32>
      %add3A_555 = arith.addi %add3A_544, %squeeze3A_554 : i32
      %get3A_556 = arith.index_cast %scan3A_14 : i32 to index
      %get3A_557 = arith.constant 416 : index
      %get3A_558 = tpu.vector_load %arg4[%get3A_556, %get3A_557] {strides = array<i32>} : memref<64x1024xf32, #tpu.memory_space<vmem>>, vector<16xf32>,
      %le3A_559 = vector.broadcast %squeeze3A : f32 to vector<16xf32>
      %le3A_560 = arith.cmpf ole, %get3A_558, %le3A_559 : vector<16xf32>
      %swap3A_561 = arith.index_cast %add3A_555 : i32 to index
      %swap3A_562 = tpu.vector_load %arg6[%swap3A_561] masked %le3A_560 {strides = array<i32>} : memref<1040xf32, #tpu.memory_space<vmem>>, vector<16xf32>, vector<16xi1>
      tpu.vector_store %arg6[%swap3A_561], %get3A_558 masked %le3A_560 {strides = array<i32>} : memref<1040xf32, #tpu.memory_space<vmem>>, vector<16xf32>, vector<16xi1>
      %all_reduce_population_count3A_563 = tpu.all_reduce %le3A_560 {dim = 0 : i64, kind = #tpu.reduction_kind<sum>} : vector<16xi1> -> vector<16xi32>
      %slice3A_564 = vector.extract_strided_slice %all_reduce_population_count3A_563 {offsets = [0], sizes = [1], strides = [1]} : vector<16xi32> to vector<1xi32>
      %squeeze3A_565 = vector.extract %slice3A_564[0] : i32 from vector<1xi32>
      %add3A_566 = arith.addi %add3A_555, %squeeze3A_565 : i32
      %get3A_567 = arith.index_cast %scan3A_14 : i32 to index
      %get3A_568 = arith.constant 432 : index
      %get3A_569 = tpu.vector_load %arg4[%get3A_567, %get3A_568] {strides = array<i32>} : memref<64x1024xf32, #tpu.memory_space<vmem>>, vector<16xf32>,
      %le3A_570 = vector.broadcast %squeeze3A : f32 to vector<16xf32>
      %le3A_571 = arith.cmpf ole, %get3A_569, %le3A_570 : vector<16xf32>
      %swap3A_572 = arith.index_cast %add3A_566 : i32 to index
      %swap3A_573 = tpu.vector_load %arg6[%swap3A_572] masked %le3A_571 {strides = array<i32>} : memref<1040xf32, #tpu.memory_space<vmem>>, vector<16xf32>, vector<16xi1>
      tpu.vector_store %arg6[%swap3A_572], %get3A_569 masked %le3A_571 {strides = array<i32>} : memref<1040xf32, #tpu.memory_space<vmem>>, vector<16xf32>, vector<16xi1>
      %all_reduce_population_count3A_574 = tpu.all_reduce %le3A_571 {dim = 0 : i64, kind = #tpu.reduction_kind<sum>} : vector<16xi1> -> vector<16xi32>
      %slice3A_575 = vector.extract_strided_slice %all_reduce_population_count3A_574 {offsets = [0], sizes = [1], strides = [1]} : vector<16xi32> to vector<1xi32>
      %squeeze3A_576 = vector.extract %slice3A_575[0] : i32 from vector<1xi32>
      %add3A_577 = arith.addi %add3A_566, %squeeze3A_576 : i32
      %get3A_578 = arith.index_cast %scan3A_14 : i32 to index
      %get3A_579 = arith.constant 448 : index
      %get3A_580 = tpu.vector_load %arg4[%get3A_578, %get3A_579] {strides = array<i32>} : memref<64x1024xf32, #tpu.memory_space<vmem>>, vector<16xf32>,
      %le3A_581 = vector.broadcast %squeeze3A : f32 to vector<16xf32>
      %le3A_582 = arith.cmpf ole, %get3A_580, %le3A_581 : vector<16xf32>
      %swap3A_583 = arith.index_cast %add3A_577 : i32 to index
      %swap3A_584 = tpu.vector_load %arg6[%swap3A_583] masked %le3A_582 {strides = array<i32>} : memref<1040xf32, #tpu.memory_space<vmem>>, vector<16xf32>, vector<16xi1>
      tpu.vector_store %arg6[%swap3A_583], %get3A_580 masked %le3A_582 {strides = array<i32>} : memref<1040xf32, #tpu.memory_space<vmem>>, vector<16xf32>, vector<16xi1>
      %all_reduce_population_count3A_585 = tpu.all_reduce %le3A_582 {dim = 0 : i64, kind = #tpu.reduction_kind<sum>} : vector<16xi1> -> vector<16xi32>
      %slice3A_586 = vector.extract_strided_slice %all_reduce_population_count3A_585 {offsets = [0], sizes = [1], strides = [1]} : vector<16xi32> to vector<1xi32>
      %squeeze3A_587 = vector.extract %slice3A_586[0] : i32 from vector<1xi32>
      %add3A_588 = arith.addi %add3A_577, %squeeze3A_587 : i32
      %get3A_589 = arith.index_cast %scan3A_14 : i32 to index
      %get3A_590 = arith.constant 464 : index
      %get3A_591 = tpu.vector_load %arg4[%get3A_589, %get3A_590] {strides = array<i32>} : memref<64x1024xf32, #tpu.memory_space<vmem>>, vector<16xf32>,
      %le3A_592 = vector.broadcast %squeeze3A : f32 to vector<16xf32>
      %le3A_593 = arith.cmpf ole, %get3A_591, %le3A_592 : vector<16xf32>
      %swap3A_594 = arith.index_cast %add3A_588 : i32 to index
      %swap3A_595 = tpu.vector_load %arg6[%swap3A_594] masked %le3A_593 {strides = array<i32>} : memref<1040xf32, #tpu.memory_space<vmem>>, vector<16xf32>, vector<16xi1>
      tpu.vector_store %arg6[%swap3A_594], %get3A_591 masked %le3A_593 {strides = array<i32>} : memref<1040xf32, #tpu.memory_space<vmem>>, vector<16xf32>, vector<16xi1>
      %all_reduce_population_count3A_596 = tpu.all_reduce %le3A_593 {dim = 0 : i64, kind = #tpu.reduction_kind<sum>} : vector<16xi1> -> vector<16xi32>
      %slice3A_597 = vector.extract_strided_slice %all_reduce_population_count3A_596 {offsets = [0], sizes = [1], strides = [1]} : vector<16xi32> to vector<1xi32>
      %squeeze3A_598 = vector.extract %slice3A_597[0] : i32 from vector<1xi32>
      %add3A_599 = arith.addi %add3A_588, %squeeze3A_598 : i32
      %get3A_600 = arith.index_cast %scan3A_14 : i32 to index
      %get3A_601 = arith.constant 480 : index
      %get3A_602 = tpu.vector_load %arg4[%get3A_600, %get3A_601] {strides = array<i32>} : memref<64x1024xf32, #tpu.memory_space<vmem>>, vector<16xf32>,
      %le3A_603 = vector.broadcast %squeeze3A : f32 to vector<16xf32>
      %le3A_604 = arith.cmpf ole, %get3A_602, %le3A_603 : vector<16xf32>
      %swap3A_605 = arith.index_cast %add3A_599 : i32 to index
      %swap3A_606 = tpu.vector_load %arg6[%swap3A_605] masked %le3A_604 {strides = array<i32>} : memref<1040xf32, #tpu.memory_space<vmem>>, vector<16xf32>, vector<16xi1>
      tpu.vector_store %arg6[%swap3A_605], %get3A_602 masked %le3A_604 {strides = array<i32>} : memref<1040xf32, #tpu.memory_space<vmem>>, vector<16xf32>, vector<16xi1>
      %all_reduce_population_count3A_607 = tpu.all_reduce %le3A_604 {dim = 0 : i64, kind = #tpu.reduction_kind<sum>} : vector<16xi1> -> vector<16xi32>
      %slice3A_608 = vector.extract_strided_slice %all_reduce_population_count3A_607 {offsets = [0], sizes = [1], strides = [1]} : vector<16xi32> to vector<1xi32>
      %squeeze3A_609 = vector.extract %slice3A_608[0] : i32 from vector<1xi32>
      %add3A_610 = arith.addi %add3A_599, %squeeze3A_609 : i32
      %get3A_611 = arith.index_cast %scan3A_14 : i32 to index
      %get3A_612 = arith.constant 496 : index
      %get3A_613 = tpu.vector_load %arg4[%get3A_611, %get3A_612] {strides = array<i32>} : memref<64x1024xf32, #tpu.memory_space<vmem>>, vector<16xf32>,
      %le3A_614 = vector.broadcast %squeeze3A : f32 to vector<16xf32>
      %le3A_615 = arith.cmpf ole, %get3A_613, %le3A_614 : vector<16xf32>
      %swap3A_616 = arith.index_cast %add3A_610 : i32 to index
      %swap3A_617 = tpu.vector_load %arg6[%swap3A_616] masked %le3A_615 {strides = array<i32>} : memref<1040xf32, #tpu.memory_space<vmem>>, vector<16xf32>, vector<16xi1>
      tpu.vector_store %arg6[%swap3A_616], %get3A_613 masked %le3A_615 {strides = array<i32>} : memref<1040xf32, #tpu.memory_space<vmem>>, vector<16xf32>, vector<16xi1>
      %all_reduce_population_count3A_618 = tpu.all_reduce %le3A_615 {dim = 0 : i64, kind = #tpu.reduction_kind<sum>} : vector<16xi1> -> vector<16xi32>
      %slice3A_619 = vector.extract_strided_slice %all_reduce_population_count3A_618 {offsets = [0], sizes = [1], strides = [1]} : vector<16xi32> to vector<1xi32>
      %squeeze3A_620 = vector.extract %slice3A_619[0] : i32 from vector<1xi32>
      %add3A_621 = arith.addi %add3A_610, %squeeze3A_620 : i32
      %get3A_622 = arith.index_cast %scan3A_14 : i32 to index
      %get3A_623 = arith.constant 512 : index
      %get3A_624 = tpu.vector_load %arg4[%get3A_622, %get3A_623] {strides = array<i32>} : memref<64x1024xf32, #tpu.memory_space<vmem>>, vector<16xf32>,
      %le3A_625 = vector.broadcast %squeeze3A : f32 to vector<16xf32>
      %le3A_626 = arith.cmpf ole, %get3A_624, %le3A_625 : vector<16xf32>
      %swap3A_627 = arith.index_cast %add3A_621 : i32 to index
      %swap3A_628 = tpu.vector_load %arg6[%swap3A_627] masked %le3A_626 {strides = array<i32>} : memref<1040xf32, #tpu.memory_space<vmem>>, vector<16xf32>, vector<16xi1>
      tpu.vector_store %arg6[%swap3A_627], %get3A_624 masked %le3A_626 {strides = array<i32>} : memref<1040xf32, #tpu.memory_space<vmem>>, vector<16xf32>, vector<16xi1>
      %all_reduce_population_count3A_629 = tpu.all_reduce %le3A_626 {dim = 0 : i64, kind = #tpu.reduction_kind<sum>} : vector<16xi1> -> vector<16xi32>
      %slice3A_630 = vector.extract_strided_slice %all_reduce_population_count3A_629 {offsets = [0], sizes = [1], strides = [1]} : vector<16xi32> to vector<1xi32>
      %squeeze3A_631 = vector.extract %slice3A_630[0] : i32 from vector<1xi32>
      %add3A_632 = arith.addi %add3A_621, %squeeze3A_631 : i32
      %get3A_633 = arith.index_cast %scan3A_14 : i32 to index
      %get3A_634 = arith.constant 528 : index
      %get3A_635 = tpu.vector_load %arg4[%get3A_633, %get3A_634] {strides = array<i32>} : memref<64x1024xf32, #tpu.memory_space<vmem>>, vector<16xf32>,
      %le3A_636 = vector.broadcast %squeeze3A : f32 to vector<16xf32>
      %le3A_637 = arith.cmpf ole, %get3A_635, %le3A_636 : vector<16xf32>
      %swap3A_638 = arith.index_cast %add3A_632 : i32 to index
      %swap3A_639 = tpu.vector_load %arg6[%swap3A_638] masked %le3A_637 {strides = array<i32>} : memref<1040xf32, #tpu.memory_space<vmem>>, vector<16xf32>, vector<16xi1>
      tpu.vector_store %arg6[%swap3A_638], %get3A_635 masked %le3A_637 {strides = array<i32>} : memref<1040xf32, #tpu.memory_space<vmem>>, vector<16xf32>, vector<16xi1>
      %all_reduce_population_count3A_640 = tpu.all_reduce %le3A_637 {dim = 0 : i64, kind = #tpu.reduction_kind<sum>} : vector<16xi1> -> vector<16xi32>
      %slice3A_641 = vector.extract_strided_slice %all_reduce_population_count3A_640 {offsets = [0], sizes = [1], strides = [1]} : vector<16xi32> to vector<1xi32>
      %squeeze3A_642 = vector.extract %slice3A_641[0] : i32 from vector<1xi32>
      %add3A_643 = arith.addi %add3A_632, %squeeze3A_642 : i32
      %get3A_644 = arith.index_cast %scan3A_14 : i32 to index
      %get3A_645 = arith.constant 544 : index
      %get3A_646 = tpu.vector_load %arg4[%get3A_644, %get3A_645] {strides = array<i32>} : memref<64x1024xf32, #tpu.memory_space<vmem>>, vector<16xf32>,
      %le3A_647 = vector.broadcast %squeeze3A : f32 to vector<16xf32>
      %le3A_648 = arith.cmpf ole, %get3A_646, %le3A_647 : vector<16xf32>
      %swap3A_649 = arith.index_cast %add3A_643 : i32 to index
      %swap3A_650 = tpu.vector_load %arg6[%swap3A_649] masked %le3A_648 {strides = array<i32>} : memref<1040xf32, #tpu.memory_space<vmem>>, vector<16xf32>, vector<16xi1>
      tpu.vector_store %arg6[%swap3A_649], %get3A_646 masked %le3A_648 {strides = array<i32>} : memref<1040xf32, #tpu.memory_space<vmem>>, vector<16xf32>, vector<16xi1>
      %all_reduce_population_count3A_651 = tpu.all_reduce %le3A_648 {dim = 0 : i64, kind = #tpu.reduction_kind<sum>} : vector<16xi1> -> vector<16xi32>
      %slice3A_652 = vector.extract_strided_slice %all_reduce_population_count3A_651 {offsets = [0], sizes = [1], strides = [1]} : vector<16xi32> to vector<1xi32>
      %squeeze3A_653 = vector.extract %slice3A_652[0] : i32 from vector<1xi32>
      %add3A_654 = arith.addi %add3A_643, %squeeze3A_653 : i32
      %get3A_655 = arith.index_cast %scan3A_14 : i32 to index
      %get3A_656 = arith.constant 560 : index
      %get3A_657 = tpu.vector_load %arg4[%get3A_655, %get3A_656] {strides = array<i32>} : memref<64x1024xf32, #tpu.memory_space<vmem>>, vector<16xf32>,
      %le3A_658 = vector.broadcast %squeeze3A : f32 to vector<16xf32>
      %le3A_659 = arith.cmpf ole, %get3A_657, %le3A_658 : vector<16xf32>
      %swap3A_660 = arith.index_cast %add3A_654 : i32 to index
      %swap3A_661 = tpu.vector_load %arg6[%swap3A_660] masked %le3A_659 {strides = array<i32>} : memref<1040xf32, #tpu.memory_space<vmem>>, vector<16xf32>, vector<16xi1>
      tpu.vector_store %arg6[%swap3A_660], %get3A_657 masked %le3A_659 {strides = array<i32>} : memref<1040xf32, #tpu.memory_space<vmem>>, vector<16xf32>, vector<16xi1>
      %all_reduce_population_count3A_662 = tpu.all_reduce %le3A_659 {dim = 0 : i64, kind = #tpu.reduction_kind<sum>} : vector<16xi1> -> vector<16xi32>
      %slice3A_663 = vector.extract_strided_slice %all_reduce_population_count3A_662 {offsets = [0], sizes = [1], strides = [1]} : vector<16xi32> to vector<1xi32>
      %squeeze3A_664 = vector.extract %slice3A_663[0] : i32 from vector<1xi32>
      %add3A_665 = arith.addi %add3A_654, %squeeze3A_664 : i32
      %get3A_666 = arith.index_cast %scan3A_14 : i32 to index
      %get3A_667 = arith.constant 576 : index
      %get3A_668 = tpu.vector_load %arg4[%get3A_666, %get3A_667] {strides = array<i32>} : memref<64x1024xf32, #tpu.memory_space<vmem>>, vector<16xf32>,
      %le3A_669 = vector.broadcast %squeeze3A : f32 to vector<16xf32>
      %le3A_670 = arith.cmpf ole, %get3A_668, %le3A_669 : vector<16xf32>
      %swap3A_671 = arith.index_cast %add3A_665 : i32 to index
      %swap3A_672 = tpu.vector_load %arg6[%swap3A_671] masked %le3A_670 {strides = array<i32>} : memref<1040xf32, #tpu.memory_space<vmem>>, vector<16xf32>, vector<16xi1>
      tpu.vector_store %arg6[%swap3A_671], %get3A_668 masked %le3A_670 {strides = array<i32>} : memref<1040xf32, #tpu.memory_space<vmem>>, vector<16xf32>, vector<16xi1>
      %all_reduce_population_count3A_673 = tpu.all_reduce %le3A_670 {dim = 0 : i64, kind = #tpu.reduction_kind<sum>} : vector<16xi1> -> vector<16xi32>
      %slice3A_674 = vector.extract_strided_slice %all_reduce_population_count3A_673 {offsets = [0], sizes = [1], strides = [1]} : vector<16xi32> to vector<1xi32>
      %squeeze3A_675 = vector.extract %slice3A_674[0] : i32 from vector<1xi32>
      %add3A_676 = arith.addi %add3A_665, %squeeze3A_675 : i32
      %get3A_677 = arith.index_cast %scan3A_14 : i32 to index
      %get3A_678 = arith.constant 592 : index
      %get3A_679 = tpu.vector_load %arg4[%get3A_677, %get3A_678] {strides = array<i32>} : memref<64x1024xf32, #tpu.memory_space<vmem>>, vector<16xf32>,
      %le3A_680 = vector.broadcast %squeeze3A : f32 to vector<16xf32>
      %le3A_681 = arith.cmpf ole, %get3A_679, %le3A_680 : vector<16xf32>
      %swap3A_682 = arith.index_cast %add3A_676 : i32 to index
      %swap3A_683 = tpu.vector_load %arg6[%swap3A_682] masked %le3A_681 {strides = array<i32>} : memref<1040xf32, #tpu.memory_space<vmem>>, vector<16xf32>, vector<16xi1>
      tpu.vector_store %arg6[%swap3A_682], %get3A_679 masked %le3A_681 {strides = array<i32>} : memref<1040xf32, #tpu.memory_space<vmem>>, vector<16xf32>, vector<16xi1>
      %all_reduce_population_count3A_684 = tpu.all_reduce %le3A_681 {dim = 0 : i64, kind = #tpu.reduction_kind<sum>} : vector<16xi1> -> vector<16xi32>
      %slice3A_685 = vector.extract_strided_slice %all_reduce_population_count3A_684 {offsets = [0], sizes = [1], strides = [1]} : vector<16xi32> to vector<1xi32>
      %squeeze3A_686 = vector.extract %slice3A_685[0] : i32 from vector<1xi32>
      %add3A_687 = arith.addi %add3A_676, %squeeze3A_686 : i32
      %get3A_688 = arith.index_cast %scan3A_14 : i32 to index
      %get3A_689 = arith.constant 608 : index
      %get3A_690 = tpu.vector_load %arg4[%get3A_688, %get3A_689] {strides = array<i32>} : memref<64x1024xf32, #tpu.memory_space<vmem>>, vector<16xf32>,
      %le3A_691 = vector.broadcast %squeeze3A : f32 to vector<16xf32>
      %le3A_692 = arith.cmpf ole, %get3A_690, %le3A_691 : vector<16xf32>
      %swap3A_693 = arith.index_cast %add3A_687 : i32 to index
      %swap3A_694 = tpu.vector_load %arg6[%swap3A_693] masked %le3A_692 {strides = array<i32>} : memref<1040xf32, #tpu.memory_space<vmem>>, vector<16xf32>, vector<16xi1>
      tpu.vector_store %arg6[%swap3A_693], %get3A_690 masked %le3A_692 {strides = array<i32>} : memref<1040xf32, #tpu.memory_space<vmem>>, vector<16xf32>, vector<16xi1>
      %all_reduce_population_count3A_695 = tpu.all_reduce %le3A_692 {dim = 0 : i64, kind = #tpu.reduction_kind<sum>} : vector<16xi1> -> vector<16xi32>
      %slice3A_696 = vector.extract_strided_slice %all_reduce_population_count3A_695 {offsets = [0], sizes = [1], strides = [1]} : vector<16xi32> to vector<1xi32>
      %squeeze3A_697 = vector.extract %slice3A_696[0] : i32 from vector<1xi32>
      %add3A_698 = arith.addi %add3A_687, %squeeze3A_697 : i32
      %get3A_699 = arith.index_cast %scan3A_14 : i32 to index
      %get3A_700 = arith.constant 624 : index
      %get3A_701 = tpu.vector_load %arg4[%get3A_699, %get3A_700] {strides = array<i32>} : memref<64x1024xf32, #tpu.memory_space<vmem>>, vector<16xf32>,
      %le3A_702 = vector.broadcast %squeeze3A : f32 to vector<16xf32>
      %le3A_703 = arith.cmpf ole, %get3A_701, %le3A_702 : vector<16xf32>
      %swap3A_704 = arith.index_cast %add3A_698 : i32 to index
      %swap3A_705 = tpu.vector_load %arg6[%swap3A_704] masked %le3A_703 {strides = array<i32>} : memref<1040xf32, #tpu.memory_space<vmem>>, vector<16xf32>, vector<16xi1>
      tpu.vector_store %arg6[%swap3A_704], %get3A_701 masked %le3A_703 {strides = array<i32>} : memref<1040xf32, #tpu.memory_space<vmem>>, vector<16xf32>, vector<16xi1>
      %all_reduce_population_count3A_706 = tpu.all_reduce %le3A_703 {dim = 0 : i64, kind = #tpu.reduction_kind<sum>} : vector<16xi1> -> vector<16xi32>
      %slice3A_707 = vector.extract_strided_slice %all_reduce_population_count3A_706 {offsets = [0], sizes = [1], strides = [1]} : vector<16xi32> to vector<1xi32>
      %squeeze3A_708 = vector.extract %slice3A_707[0] : i32 from vector<1xi32>
      %add3A_709 = arith.addi %add3A_698, %squeeze3A_708 : i32
      %get3A_710 = arith.index_cast %scan3A_14 : i32 to index
      %get3A_711 = arith.constant 640 : index
      %get3A_712 = tpu.vector_load %arg4[%get3A_710, %get3A_711] {strides = array<i32>} : memref<64x1024xf32, #tpu.memory_space<vmem>>, vector<16xf32>,
      %le3A_713 = vector.broadcast %squeeze3A : f32 to vector<16xf32>
      %le3A_714 = arith.cmpf ole, %get3A_712, %le3A_713 : vector<16xf32>
      %swap3A_715 = arith.index_cast %add3A_709 : i32 to index
      %swap3A_716 = tpu.vector_load %arg6[%swap3A_715] masked %le3A_714 {strides = array<i32>} : memref<1040xf32, #tpu.memory_space<vmem>>, vector<16xf32>, vector<16xi1>
      tpu.vector_store %arg6[%swap3A_715], %get3A_712 masked %le3A_714 {strides = array<i32>} : memref<1040xf32, #tpu.memory_space<vmem>>, vector<16xf32>, vector<16xi1>
      %all_reduce_population_count3A_717 = tpu.all_reduce %le3A_714 {dim = 0 : i64, kind = #tpu.reduction_kind<sum>} : vector<16xi1> -> vector<16xi32>
      %slice3A_718 = vector.extract_strided_slice %all_reduce_population_count3A_717 {offsets = [0], sizes = [1], strides = [1]} : vector<16xi32> to vector<1xi32>
      %squeeze3A_719 = vector.extract %slice3A_718[0] : i32 from vector<1xi32>
      %add3A_720 = arith.addi %add3A_709, %squeeze3A_719 : i32
      %get3A_721 = arith.index_cast %scan3A_14 : i32 to index
      %get3A_722 = arith.constant 656 : index
      %get3A_723 = tpu.vector_load %arg4[%get3A_721, %get3A_722] {strides = array<i32>} : memref<64x1024xf32, #tpu.memory_space<vmem>>, vector<16xf32>,
      %le3A_724 = vector.broadcast %squeeze3A : f32 to vector<16xf32>
      %le3A_725 = arith.cmpf ole, %get3A_723, %le3A_724 : vector<16xf32>
      %swap3A_726 = arith.index_cast %add3A_720 : i32 to index
      %swap3A_727 = tpu.vector_load %arg6[%swap3A_726] masked %le3A_725 {strides = array<i32>} : memref<1040xf32, #tpu.memory_space<vmem>>, vector<16xf32>, vector<16xi1>
      tpu.vector_store %arg6[%swap3A_726], %get3A_723 masked %le3A_725 {strides = array<i32>} : memref<1040xf32, #tpu.memory_space<vmem>>, vector<16xf32>, vector<16xi1>
      %all_reduce_population_count3A_728 = tpu.all_reduce %le3A_725 {dim = 0 : i64, kind = #tpu.reduction_kind<sum>} : vector<16xi1> -> vector<16xi32>
      %slice3A_729 = vector.extract_strided_slice %all_reduce_population_count3A_728 {offsets = [0], sizes = [1], strides = [1]} : vector<16xi32> to vector<1xi32>
      %squeeze3A_730 = vector.extract %slice3A_729[0] : i32 from vector<1xi32>
      %add3A_731 = arith.addi %add3A_720, %squeeze3A_730 : i32
      %get3A_732 = arith.index_cast %scan3A_14 : i32 to index
      %get3A_733 = arith.constant 672 : index
      %get3A_734 = tpu.vector_load %arg4[%get3A_732, %get3A_733] {strides = array<i32>} : memref<64x1024xf32, #tpu.memory_space<vmem>>, vector<16xf32>,
      %le3A_735 = vector.broadcast %squeeze3A : f32 to vector<16xf32>
      %le3A_736 = arith.cmpf ole, %get3A_734, %le3A_735 : vector<16xf32>
      %swap3A_737 = arith.index_cast %add3A_731 : i32 to index
      %swap3A_738 = tpu.vector_load %arg6[%swap3A_737] masked %le3A_736 {strides = array<i32>} : memref<1040xf32, #tpu.memory_space<vmem>>, vector<16xf32>, vector<16xi1>
      tpu.vector_store %arg6[%swap3A_737], %get3A_734 masked %le3A_736 {strides = array<i32>} : memref<1040xf32, #tpu.memory_space<vmem>>, vector<16xf32>, vector<16xi1>
      %all_reduce_population_count3A_739 = tpu.all_reduce %le3A_736 {dim = 0 : i64, kind = #tpu.reduction_kind<sum>} : vector<16xi1> -> vector<16xi32>
      %slice3A_740 = vector.extract_strided_slice %all_reduce_population_count3A_739 {offsets = [0], sizes = [1], strides = [1]} : vector<16xi32> to vector<1xi32>
      %squeeze3A_741 = vector.extract %slice3A_740[0] : i32 from vector<1xi32>
      %add3A_742 = arith.addi %add3A_731, %squeeze3A_741 : i32
      %get3A_743 = arith.index_cast %scan3A_14 : i32 to index
      %get3A_744 = arith.constant 688 : index
      %get3A_745 = tpu.vector_load %arg4[%get3A_743, %get3A_744] {strides = array<i32>} : memref<64x1024xf32, #tpu.memory_space<vmem>>, vector<16xf32>,
      %le3A_746 = vector.broadcast %squeeze3A : f32 to vector<16xf32>
      %le3A_747 = arith.cmpf ole, %get3A_745, %le3A_746 : vector<16xf32>
      %swap3A_748 = arith.index_cast %add3A_742 : i32 to index
      %swap3A_749 = tpu.vector_load %arg6[%swap3A_748] masked %le3A_747 {strides = array<i32>} : memref<1040xf32, #tpu.memory_space<vmem>>, vector<16xf32>, vector<16xi1>
      tpu.vector_store %arg6[%swap3A_748], %get3A_745 masked %le3A_747 {strides = array<i32>} : memref<1040xf32, #tpu.memory_space<vmem>>, vector<16xf32>, vector<16xi1>
      %all_reduce_population_count3A_750 = tpu.all_reduce %le3A_747 {dim = 0 : i64, kind = #tpu.reduction_kind<sum>} : vector<16xi1> -> vector<16xi32>
      %slice3A_751 = vector.extract_strided_slice %all_reduce_population_count3A_750 {offsets = [0], sizes = [1], strides = [1]} : vector<16xi32> to vector<1xi32>
      %squeeze3A_752 = vector.extract %slice3A_751[0] : i32 from vector<1xi32>
      %add3A_753 = arith.addi %add3A_742, %squeeze3A_752 : i32
      %get3A_754 = arith.index_cast %scan3A_14 : i32 to index
      %get3A_755 = arith.constant 704 : index
      %get3A_756 = tpu.vector_load %arg4[%get3A_754, %get3A_755] {strides = array<i32>} : memref<64x1024xf32, #tpu.memory_space<vmem>>, vector<16xf32>,
      %le3A_757 = vector.broadcast %squeeze3A : f32 to vector<16xf32>
      %le3A_758 = arith.cmpf ole, %get3A_756, %le3A_757 : vector<16xf32>
      %swap3A_759 = arith.index_cast %add3A_753 : i32 to index
      %swap3A_760 = tpu.vector_load %arg6[%swap3A_759] masked %le3A_758 {strides = array<i32>} : memref<1040xf32, #tpu.memory_space<vmem>>, vector<16xf32>, vector<16xi1>
      tpu.vector_store %arg6[%swap3A_759], %get3A_756 masked %le3A_758 {strides = array<i32>} : memref<1040xf32, #tpu.memory_space<vmem>>, vector<16xf32>, vector<16xi1>
      %all_reduce_population_count3A_761 = tpu.all_reduce %le3A_758 {dim = 0 : i64, kind = #tpu.reduction_kind<sum>} : vector<16xi1> -> vector<16xi32>
      %slice3A_762 = vector.extract_strided_slice %all_reduce_population_count3A_761 {offsets = [0], sizes = [1], strides = [1]} : vector<16xi32> to vector<1xi32>
      %squeeze3A_763 = vector.extract %slice3A_762[0] : i32 from vector<1xi32>
      %add3A_764 = arith.addi %add3A_753, %squeeze3A_763 : i32
      %get3A_765 = arith.index_cast %scan3A_14 : i32 to index
      %get3A_766 = arith.constant 720 : index
      %get3A_767 = tpu.vector_load %arg4[%get3A_765, %get3A_766] {strides = array<i32>} : memref<64x1024xf32, #tpu.memory_space<vmem>>, vector<16xf32>,
      %le3A_768 = vector.broadcast %squeeze3A : f32 to vector<16xf32>
      %le3A_769 = arith.cmpf ole, %get3A_767, %le3A_768 : vector<16xf32>
      %swap3A_770 = arith.index_cast %add3A_764 : i32 to index
      %swap3A_771 = tpu.vector_load %arg6[%swap3A_770] masked %le3A_769 {strides = array<i32>} : memref<1040xf32, #tpu.memory_space<vmem>>, vector<16xf32>, vector<16xi1>
      tpu.vector_store %arg6[%swap3A_770], %get3A_767 masked %le3A_769 {strides = array<i32>} : memref<1040xf32, #tpu.memory_space<vmem>>, vector<16xf32>, vector<16xi1>
      %all_reduce_population_count3A_772 = tpu.all_reduce %le3A_769 {dim = 0 : i64, kind = #tpu.reduction_kind<sum>} : vector<16xi1> -> vector<16xi32>
      %slice3A_773 = vector.extract_strided_slice %all_reduce_population_count3A_772 {offsets = [0], sizes = [1], strides = [1]} : vector<16xi32> to vector<1xi32>
      %squeeze3A_774 = vector.extract %slice3A_773[0] : i32 from vector<1xi32>
      %add3A_775 = arith.addi %add3A_764, %squeeze3A_774 : i32
      %get3A_776 = arith.index_cast %scan3A_14 : i32 to index
      %get3A_777 = arith.constant 736 : index
      %get3A_778 = tpu.vector_load %arg4[%get3A_776, %get3A_777] {strides = array<i32>} : memref<64x1024xf32, #tpu.memory_space<vmem>>, vector<16xf32>,
      %le3A_779 = vector.broadcast %squeeze3A : f32 to vector<16xf32>
      %le3A_780 = arith.cmpf ole, %get3A_778, %le3A_779 : vector<16xf32>
      %swap3A_781 = arith.index_cast %add3A_775 : i32 to index
      %swap3A_782 = tpu.vector_load %arg6[%swap3A_781] masked %le3A_780 {strides = array<i32>} : memref<1040xf32, #tpu.memory_space<vmem>>, vector<16xf32>, vector<16xi1>
      tpu.vector_store %arg6[%swap3A_781], %get3A_778 masked %le3A_780 {strides = array<i32>} : memref<1040xf32, #tpu.memory_space<vmem>>, vector<16xf32>, vector<16xi1>
      %all_reduce_population_count3A_783 = tpu.all_reduce %le3A_780 {dim = 0 : i64, kind = #tpu.reduction_kind<sum>} : vector<16xi1> -> vector<16xi32>
      %slice3A_784 = vector.extract_strided_slice %all_reduce_population_count3A_783 {offsets = [0], sizes = [1], strides = [1]} : vector<16xi32> to vector<1xi32>
      %squeeze3A_785 = vector.extract %slice3A_784[0] : i32 from vector<1xi32>
      %add3A_786 = arith.addi %add3A_775, %squeeze3A_785 : i32
      %get3A_787 = arith.index_cast %scan3A_14 : i32 to index
      %get3A_788 = arith.constant 752 : index
      %get3A_789 = tpu.vector_load %arg4[%get3A_787, %get3A_788] {strides = array<i32>} : memref<64x1024xf32, #tpu.memory_space<vmem>>, vector<16xf32>,
      %le3A_790 = vector.broadcast %squeeze3A : f32 to vector<16xf32>
      %le3A_791 = arith.cmpf ole, %get3A_789, %le3A_790 : vector<16xf32>
      %swap3A_792 = arith.index_cast %add3A_786 : i32 to index
      %swap3A_793 = tpu.vector_load %arg6[%swap3A_792] masked %le3A_791 {strides = array<i32>} : memref<1040xf32, #tpu.memory_space<vmem>>, vector<16xf32>, vector<16xi1>
      tpu.vector_store %arg6[%swap3A_792], %get3A_789 masked %le3A_791 {strides = array<i32>} : memref<1040xf32, #tpu.memory_space<vmem>>, vector<16xf32>, vector<16xi1>
      %all_reduce_population_count3A_794 = tpu.all_reduce %le3A_791 {dim = 0 : i64, kind = #tpu.reduction_kind<sum>} : vector<16xi1> -> vector<16xi32>
      %slice3A_795 = vector.extract_strided_slice %all_reduce_population_count3A_794 {offsets = [0], sizes = [1], strides = [1]} : vector<16xi32> to vector<1xi32>
      %squeeze3A_796 = vector.extract %slice3A_795[0] : i32 from vector<1xi32>
      %add3A_797 = arith.addi %add3A_786, %squeeze3A_796 : i32
      %get3A_798 = arith.index_cast %scan3A_14 : i32 to index
      %get3A_799 = arith.constant 768 : index
      %get3A_800 = tpu.vector_load %arg4[%get3A_798, %get3A_799] {strides = array<i32>} : memref<64x1024xf32, #tpu.memory_space<vmem>>, vector<16xf32>,
      %le3A_801 = vector.broadcast %squeeze3A : f32 to vector<16xf32>
      %le3A_802 = arith.cmpf ole, %get3A_800, %le3A_801 : vector<16xf32>
      %swap3A_803 = arith.index_cast %add3A_797 : i32 to index
      %swap3A_804 = tpu.vector_load %arg6[%swap3A_803] masked %le3A_802 {strides = array<i32>} : memref<1040xf32, #tpu.memory_space<vmem>>, vector<16xf32>, vector<16xi1>
      tpu.vector_store %arg6[%swap3A_803], %get3A_800 masked %le3A_802 {strides = array<i32>} : memref<1040xf32, #tpu.memory_space<vmem>>, vector<16xf32>, vector<16xi1>
      %all_reduce_population_count3A_805 = tpu.all_reduce %le3A_802 {dim = 0 : i64, kind = #tpu.reduction_kind<sum>} : vector<16xi1> -> vector<16xi32>
      %slice3A_806 = vector.extract_strided_slice %all_reduce_population_count3A_805 {offsets = [0], sizes = [1], strides = [1]} : vector<16xi32> to vector<1xi32>
      %squeeze3A_807 = vector.extract %slice3A_806[0] : i32 from vector<1xi32>
      %add3A_808 = arith.addi %add3A_797, %squeeze3A_807 : i32
      %get3A_809 = arith.index_cast %scan3A_14 : i32 to index
      %get3A_810 = arith.constant 784 : index
      %get3A_811 = tpu.vector_load %arg4[%get3A_809, %get3A_810] {strides = array<i32>} : memref<64x1024xf32, #tpu.memory_space<vmem>>, vector<16xf32>,
      %le3A_812 = vector.broadcast %squeeze3A : f32 to vector<16xf32>
      %le3A_813 = arith.cmpf ole, %get3A_811, %le3A_812 : vector<16xf32>
      %swap3A_814 = arith.index_cast %add3A_808 : i32 to index
      %swap3A_815 = tpu.vector_load %arg6[%swap3A_814] masked %le3A_813 {strides = array<i32>} : memref<1040xf32, #tpu.memory_space<vmem>>, vector<16xf32>, vector<16xi1>
      tpu.vector_store %arg6[%swap3A_814], %get3A_811 masked %le3A_813 {strides = array<i32>} : memref<1040xf32, #tpu.memory_space<vmem>>, vector<16xf32>, vector<16xi1>
      %all_reduce_population_count3A_816 = tpu.all_reduce %le3A_813 {dim = 0 : i64, kind = #tpu.reduction_kind<sum>} : vector<16xi1> -> vector<16xi32>
      %slice3A_817 = vector.extract_strided_slice %all_reduce_population_count3A_816 {offsets = [0], sizes = [1], strides = [1]} : vector<16xi32> to vector<1xi32>
      %squeeze3A_818 = vector.extract %slice3A_817[0] : i32 from vector<1xi32>
      %add3A_819 = arith.addi %add3A_808, %squeeze3A_818 : i32
      %get3A_820 = arith.index_cast %scan3A_14 : i32 to index
      %get3A_821 = arith.constant 800 : index
      %get3A_822 = tpu.vector_load %arg4[%get3A_820, %get3A_821] {strides = array<i32>} : memref<64x1024xf32, #tpu.memory_space<vmem>>, vector<16xf32>,
      %le3A_823 = vector.broadcast %squeeze3A : f32 to vector<16xf32>
      %le3A_824 = arith.cmpf ole, %get3A_822, %le3A_823 : vector<16xf32>
      %swap3A_825 = arith.index_cast %add3A_819 : i32 to index
      %swap3A_826 = tpu.vector_load %arg6[%swap3A_825] masked %le3A_824 {strides = array<i32>} : memref<1040xf32, #tpu.memory_space<vmem>>, vector<16xf32>, vector<16xi1>
      tpu.vector_store %arg6[%swap3A_825], %get3A_822 masked %le3A_824 {strides = array<i32>} : memref<1040xf32, #tpu.memory_space<vmem>>, vector<16xf32>, vector<16xi1>
      %all_reduce_population_count3A_827 = tpu.all_reduce %le3A_824 {dim = 0 : i64, kind = #tpu.reduction_kind<sum>} : vector<16xi1> -> vector<16xi32>
      %slice3A_828 = vector.extract_strided_slice %all_reduce_population_count3A_827 {offsets = [0], sizes = [1], strides = [1]} : vector<16xi32> to vector<1xi32>
      %squeeze3A_829 = vector.extract %slice3A_828[0] : i32 from vector<1xi32>
      %add3A_830 = arith.addi %add3A_819, %squeeze3A_829 : i32
      %get3A_831 = arith.index_cast %scan3A_14 : i32 to index
      %get3A_832 = arith.constant 816 : index
      %get3A_833 = tpu.vector_load %arg4[%get3A_831, %get3A_832] {strides = array<i32>} : memref<64x1024xf32, #tpu.memory_space<vmem>>, vector<16xf32>,
      %le3A_834 = vector.broadcast %squeeze3A : f32 to vector<16xf32>
      %le3A_835 = arith.cmpf ole, %get3A_833, %le3A_834 : vector<16xf32>
      %swap3A_836 = arith.index_cast %add3A_830 : i32 to index
      %swap3A_837 = tpu.vector_load %arg6[%swap3A_836] masked %le3A_835 {strides = array<i32>} : memref<1040xf32, #tpu.memory_space<vmem>>, vector<16xf32>, vector<16xi1>
      tpu.vector_store %arg6[%swap3A_836], %get3A_833 masked %le3A_835 {strides = array<i32>} : memref<1040xf32, #tpu.memory_space<vmem>>, vector<16xf32>, vector<16xi1>
      %all_reduce_population_count3A_838 = tpu.all_reduce %le3A_835 {dim = 0 : i64, kind = #tpu.reduction_kind<sum>} : vector<16xi1> -> vector<16xi32>
      %slice3A_839 = vector.extract_strided_slice %all_reduce_population_count3A_838 {offsets = [0], sizes = [1], strides = [1]} : vector<16xi32> to vector<1xi32>
      %squeeze3A_840 = vector.extract %slice3A_839[0] : i32 from vector<1xi32>
      %add3A_841 = arith.addi %add3A_830, %squeeze3A_840 : i32
      %get3A_842 = arith.index_cast %scan3A_14 : i32 to index
      %get3A_843 = arith.constant 832 : index
      %get3A_844 = tpu.vector_load %arg4[%get3A_842, %get3A_843] {strides = array<i32>} : memref<64x1024xf32, #tpu.memory_space<vmem>>, vector<16xf32>,
      %le3A_845 = vector.broadcast %squeeze3A : f32 to vector<16xf32>
      %le3A_846 = arith.cmpf ole, %get3A_844, %le3A_845 : vector<16xf32>
      %swap3A_847 = arith.index_cast %add3A_841 : i32 to index
      %swap3A_848 = tpu.vector_load %arg6[%swap3A_847] masked %le3A_846 {strides = array<i32>} : memref<1040xf32, #tpu.memory_space<vmem>>, vector<16xf32>, vector<16xi1>
      tpu.vector_store %arg6[%swap3A_847], %get3A_844 masked %le3A_846 {strides = array<i32>} : memref<1040xf32, #tpu.memory_space<vmem>>, vector<16xf32>, vector<16xi1>
      %all_reduce_population_count3A_849 = tpu.all_reduce %le3A_846 {dim = 0 : i64, kind = #tpu.reduction_kind<sum>} : vector<16xi1> -> vector<16xi32>
      %slice3A_850 = vector.extract_strided_slice %all_reduce_population_count3A_849 {offsets = [0], sizes = [1], strides = [1]} : vector<16xi32> to vector<1xi32>
      %squeeze3A_851 = vector.extract %slice3A_850[0] : i32 from vector<1xi32>
      %add3A_852 = arith.addi %add3A_841, %squeeze3A_851 : i32
      %get3A_853 = arith.index_cast %scan3A_14 : i32 to index
      %get3A_854 = arith.constant 848 : index
      %get3A_855 = tpu.vector_load %arg4[%get3A_853, %get3A_854] {strides = array<i32>} : memref<64x1024xf32, #tpu.memory_space<vmem>>, vector<16xf32>,
      %le3A_856 = vector.broadcast %squeeze3A : f32 to vector<16xf32>
      %le3A_857 = arith.cmpf ole, %get3A_855, %le3A_856 : vector<16xf32>
      %swap3A_858 = arith.index_cast %add3A_852 : i32 to index
      %swap3A_859 = tpu.vector_load %arg6[%swap3A_858] masked %le3A_857 {strides = array<i32>} : memref<1040xf32, #tpu.memory_space<vmem>>, vector<16xf32>, vector<16xi1>
      tpu.vector_store %arg6[%swap3A_858], %get3A_855 masked %le3A_857 {strides = array<i32>} : memref<1040xf32, #tpu.memory_space<vmem>>, vector<16xf32>, vector<16xi1>
      %all_reduce_population_count3A_860 = tpu.all_reduce %le3A_857 {dim = 0 : i64, kind = #tpu.reduction_kind<sum>} : vector<16xi1> -> vector<16xi32>
      %slice3A_861 = vector.extract_strided_slice %all_reduce_population_count3A_860 {offsets = [0], sizes = [1], strides = [1]} : vector<16xi32> to vector<1xi32>
      %squeeze3A_862 = vector.extract %slice3A_861[0] : i32 from vector<1xi32>
      %add3A_863 = arith.addi %add3A_852, %squeeze3A_862 : i32
      %get3A_864 = arith.index_cast %scan3A_14 : i32 to index
      %get3A_865 = arith.constant 864 : index
      %get3A_866 = tpu.vector_load %arg4[%get3A_864, %get3A_865] {strides = array<i32>} : memref<64x1024xf32, #tpu.memory_space<vmem>>, vector<16xf32>,
      %le3A_867 = vector.broadcast %squeeze3A : f32 to vector<16xf32>
      %le3A_868 = arith.cmpf ole, %get3A_866, %le3A_867 : vector<16xf32>
      %swap3A_869 = arith.index_cast %add3A_863 : i32 to index
      %swap3A_870 = tpu.vector_load %arg6[%swap3A_869] masked %le3A_868 {strides = array<i32>} : memref<1040xf32, #tpu.memory_space<vmem>>, vector<16xf32>, vector<16xi1>
      tpu.vector_store %arg6[%swap3A_869], %get3A_866 masked %le3A_868 {strides = array<i32>} : memref<1040xf32, #tpu.memory_space<vmem>>, vector<16xf32>, vector<16xi1>
      %all_reduce_population_count3A_871 = tpu.all_reduce %le3A_868 {dim = 0 : i64, kind = #tpu.reduction_kind<sum>} : vector<16xi1> -> vector<16xi32>
      %slice3A_872 = vector.extract_strided_slice %all_reduce_population_count3A_871 {offsets = [0], sizes = [1], strides = [1]} : vector<16xi32> to vector<1xi32>
      %squeeze3A_873 = vector.extract %slice3A_872[0] : i32 from vector<1xi32>
      %add3A_874 = arith.addi %add3A_863, %squeeze3A_873 : i32
      %get3A_875 = arith.index_cast %scan3A_14 : i32 to index
      %get3A_876 = arith.constant 880 : index
      %get3A_877 = tpu.vector_load %arg4[%get3A_875, %get3A_876] {strides = array<i32>} : memref<64x1024xf32, #tpu.memory_space<vmem>>, vector<16xf32>,
      %le3A_878 = vector.broadcast %squeeze3A : f32 to vector<16xf32>
      %le3A_879 = arith.cmpf ole, %get3A_877, %le3A_878 : vector<16xf32>
      %swap3A_880 = arith.index_cast %add3A_874 : i32 to index
      %swap3A_881 = tpu.vector_load %arg6[%swap3A_880] masked %le3A_879 {strides = array<i32>} : memref<1040xf32, #tpu.memory_space<vmem>>, vector<16xf32>, vector<16xi1>
      tpu.vector_store %arg6[%swap3A_880], %get3A_877 masked %le3A_879 {strides = array<i32>} : memref<1040xf32, #tpu.memory_space<vmem>>, vector<16xf32>, vector<16xi1>
      %all_reduce_population_count3A_882 = tpu.all_reduce %le3A_879 {dim = 0 : i64, kind = #tpu.reduction_kind<sum>} : vector<16xi1> -> vector<16xi32>
      %slice3A_883 = vector.extract_strided_slice %all_reduce_population_count3A_882 {offsets = [0], sizes = [1], strides = [1]} : vector<16xi32> to vector<1xi32>
      %squeeze3A_884 = vector.extract %slice3A_883[0] : i32 from vector<1xi32>
      %add3A_885 = arith.addi %add3A_874, %squeeze3A_884 : i32
      %get3A_886 = arith.index_cast %scan3A_14 : i32 to index
      %get3A_887 = arith.constant 896 : index
      %get3A_888 = tpu.vector_load %arg4[%get3A_886, %get3A_887] {strides = array<i32>} : memref<64x1024xf32, #tpu.memory_space<vmem>>, vector<16xf32>,
      %le3A_889 = vector.broadcast %squeeze3A : f32 to vector<16xf32>
      %le3A_890 = arith.cmpf ole, %get3A_888, %le3A_889 : vector<16xf32>
      %swap3A_891 = arith.index_cast %add3A_885 : i32 to index
      %swap3A_892 = tpu.vector_load %arg6[%swap3A_891] masked %le3A_890 {strides = array<i32>} : memref<1040xf32, #tpu.memory_space<vmem>>, vector<16xf32>, vector<16xi1>
      tpu.vector_store %arg6[%swap3A_891], %get3A_888 masked %le3A_890 {strides = array<i32>} : memref<1040xf32, #tpu.memory_space<vmem>>, vector<16xf32>, vector<16xi1>
      %all_reduce_population_count3A_893 = tpu.all_reduce %le3A_890 {dim = 0 : i64, kind = #tpu.reduction_kind<sum>} : vector<16xi1> -> vector<16xi32>
      %slice3A_894 = vector.extract_strided_slice %all_reduce_population_count3A_893 {offsets = [0], sizes = [1], strides = [1]} : vector<16xi32> to vector<1xi32>
      %squeeze3A_895 = vector.extract %slice3A_894[0] : i32 from vector<1xi32>
      %add3A_896 = arith.addi %add3A_885, %squeeze3A_895 : i32
      %get3A_897 = arith.index_cast %scan3A_14 : i32 to index
      %get3A_898 = arith.constant 912 : index
      %get3A_899 = tpu.vector_load %arg4[%get3A_897, %get3A_898] {strides = array<i32>} : memref<64x1024xf32, #tpu.memory_space<vmem>>, vector<16xf32>,
      %le3A_900 = vector.broadcast %squeeze3A : f32 to vector<16xf32>
      %le3A_901 = arith.cmpf ole, %get3A_899, %le3A_900 : vector<16xf32>
      %swap3A_902 = arith.index_cast %add3A_896 : i32 to index
      %swap3A_903 = tpu.vector_load %arg6[%swap3A_902] masked %le3A_901 {strides = array<i32>} : memref<1040xf32, #tpu.memory_space<vmem>>, vector<16xf32>, vector<16xi1>
      tpu.vector_store %arg6[%swap3A_902], %get3A_899 masked %le3A_901 {strides = array<i32>} : memref<1040xf32, #tpu.memory_space<vmem>>, vector<16xf32>, vector<16xi1>
      %all_reduce_population_count3A_904 = tpu.all_reduce %le3A_901 {dim = 0 : i64, kind = #tpu.reduction_kind<sum>} : vector<16xi1> -> vector<16xi32>
      %slice3A_905 = vector.extract_strided_slice %all_reduce_population_count3A_904 {offsets = [0], sizes = [1], strides = [1]} : vector<16xi32> to vector<1xi32>
      %squeeze3A_906 = vector.extract %slice3A_905[0] : i32 from vector<1xi32>
      %add3A_907 = arith.addi %add3A_896, %squeeze3A_906 : i32
      %get3A_908 = arith.index_cast %scan3A_14 : i32 to index
      %get3A_909 = arith.constant 928 : index
      %get3A_910 = tpu.vector_load %arg4[%get3A_908, %get3A_909] {strides = array<i32>} : memref<64x1024xf32, #tpu.memory_space<vmem>>, vector<16xf32>,
      %le3A_911 = vector.broadcast %squeeze3A : f32 to vector<16xf32>
      %le3A_912 = arith.cmpf ole, %get3A_910, %le3A_911 : vector<16xf32>
      %swap3A_913 = arith.index_cast %add3A_907 : i32 to index
      %swap3A_914 = tpu.vector_load %arg6[%swap3A_913] masked %le3A_912 {strides = array<i32>} : memref<1040xf32, #tpu.memory_space<vmem>>, vector<16xf32>, vector<16xi1>
      tpu.vector_store %arg6[%swap3A_913], %get3A_910 masked %le3A_912 {strides = array<i32>} : memref<1040xf32, #tpu.memory_space<vmem>>, vector<16xf32>, vector<16xi1>
      %all_reduce_population_count3A_915 = tpu.all_reduce %le3A_912 {dim = 0 : i64, kind = #tpu.reduction_kind<sum>} : vector<16xi1> -> vector<16xi32>
      %slice3A_916 = vector.extract_strided_slice %all_reduce_population_count3A_915 {offsets = [0], sizes = [1], strides = [1]} : vector<16xi32> to vector<1xi32>
      %squeeze3A_917 = vector.extract %slice3A_916[0] : i32 from vector<1xi32>
      %add3A_918 = arith.addi %add3A_907, %squeeze3A_917 : i32
      %get3A_919 = arith.index_cast %scan3A_14 : i32 to index
      %get3A_920 = arith.constant 944 : index
      %get3A_921 = tpu.vector_load %arg4[%get3A_919, %get3A_920] {strides = array<i32>} : memref<64x1024xf32, #tpu.memory_space<vmem>>, vector<16xf32>,
      %le3A_922 = vector.broadcast %squeeze3A : f32 to vector<16xf32>
      %le3A_923 = arith.cmpf ole, %get3A_921, %le3A_922 : vector<16xf32>
      %swap3A_924 = arith.index_cast %add3A_918 : i32 to index
      %swap3A_925 = tpu.vector_load %arg6[%swap3A_924] masked %le3A_923 {strides = array<i32>} : memref<1040xf32, #tpu.memory_space<vmem>>, vector<16xf32>, vector<16xi1>
      tpu.vector_store %arg6[%swap3A_924], %get3A_921 masked %le3A_923 {strides = array<i32>} : memref<1040xf32, #tpu.memory_space<vmem>>, vector<16xf32>, vector<16xi1>
      %all_reduce_population_count3A_926 = tpu.all_reduce %le3A_923 {dim = 0 : i64, kind = #tpu.reduction_kind<sum>} : vector<16xi1> -> vector<16xi32>
      %slice3A_927 = vector.extract_strided_slice %all_reduce_population_count3A_926 {offsets = [0], sizes = [1], strides = [1]} : vector<16xi32> to vector<1xi32>
      %squeeze3A_928 = vector.extract %slice3A_927[0] : i32 from vector<1xi32>
      %add3A_929 = arith.addi %add3A_918, %squeeze3A_928 : i32
      %get3A_930 = arith.index_cast %scan3A_14 : i32 to index
      %get3A_931 = arith.constant 960 : index
      %get3A_932 = tpu.vector_load %arg4[%get3A_930, %get3A_931] {strides = array<i32>} : memref<64x1024xf32, #tpu.memory_space<vmem>>, vector<16xf32>,
      %le3A_933 = vector.broadcast %squeeze3A : f32 to vector<16xf32>
      %le3A_934 = arith.cmpf ole, %get3A_932, %le3A_933 : vector<16xf32>
      %swap3A_935 = arith.index_cast %add3A_929 : i32 to index
      %swap3A_936 = tpu.vector_load %arg6[%swap3A_935] masked %le3A_934 {strides = array<i32>} : memref<1040xf32, #tpu.memory_space<vmem>>, vector<16xf32>, vector<16xi1>
      tpu.vector_store %arg6[%swap3A_935], %get3A_932 masked %le3A_934 {strides = array<i32>} : memref<1040xf32, #tpu.memory_space<vmem>>, vector<16xf32>, vector<16xi1>
      %all_reduce_population_count3A_937 = tpu.all_reduce %le3A_934 {dim = 0 : i64, kind = #tpu.reduction_kind<sum>} : vector<16xi1> -> vector<16xi32>
      %slice3A_938 = vector.extract_strided_slice %all_reduce_population_count3A_937 {offsets = [0], sizes = [1], strides = [1]} : vector<16xi32> to vector<1xi32>
      %squeeze3A_939 = vector.extract %slice3A_938[0] : i32 from vector<1xi32>
      %add3A_940 = arith.addi %add3A_929, %squeeze3A_939 : i32
      %get3A_941 = arith.index_cast %scan3A_14 : i32 to index
      %get3A_942 = arith.constant 976 : index
      %get3A_943 = tpu.vector_load %arg4[%get3A_941, %get3A_942] {strides = array<i32>} : memref<64x1024xf32, #tpu.memory_space<vmem>>, vector<16xf32>,
      %le3A_944 = vector.broadcast %squeeze3A : f32 to vector<16xf32>
      %le3A_945 = arith.cmpf ole, %get3A_943, %le3A_944 : vector<16xf32>
      %swap3A_946 = arith.index_cast %add3A_940 : i32 to index
      %swap3A_947 = tpu.vector_load %arg6[%swap3A_946] masked %le3A_945 {strides = array<i32>} : memref<1040xf32, #tpu.memory_space<vmem>>, vector<16xf32>, vector<16xi1>
      tpu.vector_store %arg6[%swap3A_946], %get3A_943 masked %le3A_945 {strides = array<i32>} : memref<1040xf32, #tpu.memory_space<vmem>>, vector<16xf32>, vector<16xi1>
      %all_reduce_population_count3A_948 = tpu.all_reduce %le3A_945 {dim = 0 : i64, kind = #tpu.reduction_kind<sum>} : vector<16xi1> -> vector<16xi32>
      %slice3A_949 = vector.extract_strided_slice %all_reduce_population_count3A_948 {offsets = [0], sizes = [1], strides = [1]} : vector<16xi32> to vector<1xi32>
      %squeeze3A_950 = vector.extract %slice3A_949[0] : i32 from vector<1xi32>
      %add3A_951 = arith.addi %add3A_940, %squeeze3A_950 : i32
      %get3A_952 = arith.index_cast %scan3A_14 : i32 to index
      %get3A_953 = arith.constant 992 : index
      %get3A_954 = tpu.vector_load %arg4[%get3A_952, %get3A_953] {strides = array<i32>} : memref<64x1024xf32, #tpu.memory_space<vmem>>, vector<16xf32>,
      %le3A_955 = vector.broadcast %squeeze3A : f32 to vector<16xf32>
      %le3A_956 = arith.cmpf ole, %get3A_954, %le3A_955 : vector<16xf32>
      %swap3A_957 = arith.index_cast %add3A_951 : i32 to index
      %swap3A_958 = tpu.vector_load %arg6[%swap3A_957] masked %le3A_956 {strides = array<i32>} : memref<1040xf32, #tpu.memory_space<vmem>>, vector<16xf32>, vector<16xi1>
      tpu.vector_store %arg6[%swap3A_957], %get3A_954 masked %le3A_956 {strides = array<i32>} : memref<1040xf32, #tpu.memory_space<vmem>>, vector<16xf32>, vector<16xi1>
      %all_reduce_population_count3A_959 = tpu.all_reduce %le3A_956 {dim = 0 : i64, kind = #tpu.reduction_kind<sum>} : vector<16xi1> -> vector<16xi32>
      %slice3A_960 = vector.extract_strided_slice %all_reduce_population_count3A_959 {offsets = [0], sizes = [1], strides = [1]} : vector<16xi32> to vector<1xi32>
      %squeeze3A_961 = vector.extract %slice3A_960[0] : i32 from vector<1xi32>
      %add3A_962 = arith.addi %add3A_951, %squeeze3A_961 : i32
      %get3A_963 = arith.index_cast %scan3A_14 : i32 to index
      %get3A_964 = arith.constant 1008 : index
      %get3A_965 = tpu.vector_load %arg4[%get3A_963, %get3A_964] {strides = array<i32>} : memref<64x1024xf32, #tpu.memory_space<vmem>>, vector<16xf32>,
      %le3A_966 = vector.broadcast %squeeze3A : f32 to vector<16xf32>
      %le3A_967 = arith.cmpf ole, %get3A_965, %le3A_966 : vector<16xf32>
      %swap3A_968 = arith.index_cast %add3A_962 : i32 to index
      %swap3A_969 = tpu.vector_load %arg6[%swap3A_968] masked %le3A_967 {strides = array<i32>} : memref<1040xf32, #tpu.memory_space<vmem>>, vector<16xf32>, vector<16xi1>
      tpu.vector_store %arg6[%swap3A_968], %get3A_965 masked %le3A_967 {strides = array<i32>} : memref<1040xf32, #tpu.memory_space<vmem>>, vector<16xf32>, vector<16xi1>
      %all_reduce_population_count3A_970 = tpu.all_reduce %le3A_967 {dim = 0 : i64, kind = #tpu.reduction_kind<sum>} : vector<16xi1> -> vector<16xi32>
      %slice3A_971 = vector.extract_strided_slice %all_reduce_population_count3A_970 {offsets = [0], sizes = [1], strides = [1]} : vector<16xi32> to vector<1xi32>
      %squeeze3A_972 = vector.extract %slice3A_971[0] : i32 from vector<1xi32>
      %add3A_973 = arith.addi %add3A_962, %squeeze3A_972 : i32
      %broadcast_in_dim3A = arith.constant 3.000000e+38 : f32
      %broadcast_in_dim3A_974 = vector.broadcast %broadcast_in_dim3A : f32 to vector<16xf32>
      %swap3A_975 = arith.index_cast %add3A_973 : i32 to index
      %swap3A_976 = tpu.vector_load %arg6[%swap3A_975] {strides = array<i32>} : memref<1040xf32, #tpu.memory_space<vmem>>, vector<16xf32>,
      tpu.vector_store %arg6[%swap3A_975], %broadcast_in_dim3A_974 {strides = array<i32>} : memref<1040xf32, #tpu.memory_space<vmem>>, vector<16xf32>,
      %add3A_977 = arith.constant 15 : i32
      %add3A_978 = arith.addi %add3A_973, %add3A_977 : i32
      %jit3A = arith.constant 16 : i32
      %div3A = arith.divsi %add3A_978, %jit3A : i32
      %sign3A = arith.constant 0 : i32
      %sign3A_979 = arith.cmpi sgt, %add3A_978, %sign3A : i32
      %sign3A_980 = arith.extui %sign3A_979 : i1 to i32
      %sign3A_981 = arith.constant 0 : i32
      %sign3A_982 = arith.cmpi slt, %add3A_978, %sign3A_981 : i32
      %sign3A_983 = arith.extui %sign3A_982 : i1 to i32
      %sign3A_984 = arith.subi %sign3A_980, %sign3A_983 : i32
      %sign3A_985 = arith.constant 0 : i32
      %sign3A_986 = arith.cmpi sgt, %jit3A, %sign3A_985 : i32
      %sign3A_987 = arith.extui %sign3A_986 : i1 to i32
      %sign3A_988 = arith.constant 0 : i32
      %sign3A_989 = arith.cmpi slt, %jit3A, %sign3A_988 : i32
      %sign3A_990 = arith.extui %sign3A_989 : i1 to i32
      %sign3A_991 = arith.subi %sign3A_987, %sign3A_990 : i32
      %ne3A = arith.cmpi ne, %sign3A_984, %sign3A_991 : i32
      %rem3A = arith.remsi %add3A_978, %jit3A : i32
      %ne3A_992 = arith.constant 0 : i32
      %ne3A_993 = arith.cmpi ne, %rem3A, %ne3A_992 : i32
      %and3A = arith.andi %ne3A, %ne3A_993 : i1
      %sub3A = arith.constant 1 : i32
      %sub3A_994 = arith.subi %div3A, %sub3A : i32
      %select_n3A = arith.select %and3A, %sub3A_994, %div3A : i32
      %broadcast_in_dim3A_995 = arith.constant 3.000000e+38 : f32
      %broadcast_in_dim3A_996 = vector.broadcast %broadcast_in_dim3A_995 : f32 to vector<16xf32>
      %while3A = arith.constant 0 : i32
      %while3A_997 = arith.subi %select_n3A, %while3A : i32
      %while3A_998 = arith.addi %while3A, %while3A_997 : i32
      %while3A_999 = arith.constant 1 : i32
      %while3A_1000 = arith.divsi %while3A_997, %while3A_999 : i32
      %while3A_1001 = arith.muli %while3A_1000, %while3A_999 : i32
      %while3A_1002 = arith.addi %while3A, %while3A_1001 : i32
      %while3A_1003 = arith.constant 1 : i32
      %while3A_1004 = scf.for %while3A_1010 = %while3A to %while3A_1002 step %while3A_1003 iter_args(%while3A_1011 = %broadcast_in_dim3A_996) -> (vector<16xf32>)  : i32 {
        %mul3A_1012 = arith.constant 16 : i32
        %mul3A_1013 = arith.muli %mul3A_1012, %while3A_1010 : i32
        %get3A_1014 = arith.index_cast %mul3A_1013 : i32 to index
        %get3A_1015 = tpu.vector_load %arg6[%get3A_1014] {strides = array<i32>} : memref<1040xf32, #tpu.memory_space<vmem>>, vector<16xf32>,
        %sort3A_1016 = arith.constant dense<true> : vector<16xi1>
        %sort3A_1017, %sort3A_1018, %sort3A_1019 = tpu.sort %get3A_1015, %get3A_1015 masked %sort3A_1016 : (vector<16xf32>, vector<16xf32>, vector<16xi1>) -> (vector<16xi1>, vector<16xf32>, vector<16xf32>)
        %rev3A = arith.constant 15 : i32
        %rev3A_1020 = vector.broadcast %rev3A : i32 to vector<16xi32>
        %rev3A_1021 = tpu.iota {dimensions = array<i32: 0>} : vector<16xi32>
        %rev3A_1022 = arith.subi %rev3A_1020, %rev3A_1021 : vector<16xi32>
        %rev3A_1023 = tpu.dynamic_gather %sort3A_1018[%rev3A_1022] in [0] : vector<16xf32>, vector<16xi32> -> vector<16xf32>
        %min3A_1024 = arith.minimumf %while3A_1011, %rev3A_1023 : vector<16xf32>
        %sort3A_1025 = arith.constant dense<true> : vector<16xi1>
        %sort3A_1026, %sort3A_1027, %sort3A_1028 = tpu.sort %min3A_1024, %min3A_1024 masked %sort3A_1025 : (vector<16xf32>, vector<16xf32>, vector<16xi1>) -> (vector<16xi1>, vector<16xf32>, vector<16xf32>)
        scf.yield %sort3A_1027 : vector<16xf32>
      }
      %while3A_1005 = arith.constant 1 : i32
      %while3A_1006 = scf.for %while3A_1010 = %while3A_1002 to %while3A_998 step %while3A_1005 iter_args(%while3A_1011 = %while3A_1004) -> (vector<16xf32>)  : i32 {
        %mul3A_1012 = arith.constant 16 : i32
        %mul3A_1013 = arith.muli %mul3A_1012, %while3A_1010 : i32
        %get3A_1014 = arith.index_cast %mul3A_1013 : i32 to index
        %get3A_1015 = tpu.vector_load %arg6[%get3A_1014] {strides = array<i32>} : memref<1040xf32, #tpu.memory_space<vmem>>, vector<16xf32>,
        %sort3A_1016 = arith.constant dense<true> : vector<16xi1>
        %sort3A_1017, %sort3A_1018, %sort3A_1019 = tpu.sort %get3A_1015, %get3A_1015 masked %sort3A_1016 : (vector<16xf32>, vector<16xf32>, vector<16xi1>) -> (vector<16xi1>, vector<16xf32>, vector<16xf32>)
        %rev3A = arith.constant 15 : i32
        %rev3A_1020 = vector.broadcast %rev3A : i32 to vector<16xi32>
        %rev3A_1021 = tpu.iota {dimensions = array<i32: 0>} : vector<16xi32>
        %rev3A_1022 = arith.subi %rev3A_1020, %rev3A_1021 : vector<16xi32>
        %rev3A_1023 = tpu.dynamic_gather %sort3A_1018[%rev3A_1022] in [0] : vector<16xf32>, vector<16xi32> -> vector<16xf32>
        %min3A_1024 = arith.minimumf %while3A_1011, %rev3A_1023 : vector<16xf32>
        %sort3A_1025 = arith.constant dense<true> : vector<16xi1>
        %sort3A_1026, %sort3A_1027, %sort3A_1028 = tpu.sort %min3A_1024, %min3A_1024 masked %sort3A_1025 : (vector<16xf32>, vector<16xf32>, vector<16xi1>) -> (vector<16xi1>, vector<16xf32>, vector<16xf32>)
        scf.yield %sort3A_1027 : vector<16xf32>
      }
      %swap3A_1007 = arith.index_cast %scan3A_14 : i32 to index
      %swap3A_1008 = arith.constant 0 : index
      %swap3A_1009 = tpu.vector_load %arg5[%swap3A_1007, %swap3A_1008] {strides = array<i32>} : memref<64x16xf32, #tpu.memory_space<vmem>>, vector<16xf32>,
      tpu.vector_store %arg5[%swap3A_1007, %swap3A_1008], %while3A_1006 {strides = array<i32>} : memref<64x16xf32, #tpu.memory_space<vmem>>, vector<16xf32>,
    }
    %scan3A_12 = arith.constant 64 : i32
    "tpu.region"() ({
      %run_scoped3A = tpu.sem_alloc : memref<!tpu.dma_semaphore, #tpu.memory_space<semaphore_mem>>
      %dma_start3A = arith.constant 0 : i32
      %dma_start3A_14 = tpu.memref_slice %arg3[%add3A_6, %dma_start3A] : memref<2048x16xf32, #tpu.memory_space<hbm>> -> memref<64x16xf32, #tpu.memory_space<hbm>>
      %dma_start3A_15 = arith.constant 0 : i32
      %dma_start3A_16 = tpu.memref_slice %arg3[%add3A_6, %dma_start3A_15] : memref<2048x16xf32, #tpu.memory_space<hbm>> -> memref<64x16xf32, #tpu.memory_space<hbm>>
      tpu.enqueue_dma source(%arg5 : memref<64x16xf32, #tpu.memory_space<vmem>>) target(%dma_start3A_16 : memref<64x16xf32, #tpu.memory_space<hbm>>) target_semaphore(%run_scoped3A : memref<!tpu.dma_semaphore, #tpu.memory_space<semaphore_mem>>)
      %dma_wait3A = arith.constant 0 : i32
      %dma_wait3A_17 = tpu.memref_slice %arg3[%add3A_6, %dma_wait3A] : memref<2048x16xf32, #tpu.memory_space<hbm>> -> memref<64x16xf32, #tpu.memory_space<hbm>>
      %dma_wait3A_18 = arith.constant 0 : i32
      %dma_wait3A_19 = tpu.memref_slice %arg3[%add3A_6, %dma_wait3A_18] : memref<2048x16xf32, #tpu.memory_space<hbm>> -> memref<64x16xf32, #tpu.memory_space<hbm>>
      tpu.wait_dma2 semaphore(%run_scoped3A : memref<!tpu.dma_semaphore, #tpu.memory_space<semaphore_mem>>) src(%arg5 : memref<64x16xf32, #tpu.memory_space<vmem>>) dst(%dma_wait3A_19 : memref<64x16xf32, #tpu.memory_space<hbm>>)
      tpu.yield
    }) : () -> ()
    %scan3A_13 = arith.constant 1 : i32
    return
  }
}

module attributes {stable_mosaic.version = 14 : i64} {
  func.func @_dist_body(%arg0: i32, %arg1: memref<1x3x1024xf32, #tpu.memory_space<vmem>>, %arg2: memref<1x1024x1024xf32, #tpu.memory_space<vmem>>) attributes {dimension_semantics = [#tpu.dimension_semantics<arbitrary>], iteration_bounds = array<i64: 2>, scalar_prefetch = 0 : i64, scratch_operands = 0 : i64, tpu.core_type = #tpu.core_type<tc>, window_params = [{transform_indices = @transform_0, window_bounds = array<i64: 1, 3, 1024>}, {transform_indices = @transform_1, window_bounds = array<i64: 1, 1024, 1024>}]} {
    %get3A = arith.constant 0 : index
    %get3A_0 = arith.constant 0 : index
    %get3A_1 = arith.constant 0 : index
    %get3A_2 = vector.load %arg1[%get3A, %get3A_0, %get3A_1] : memref<1x3x1024xf32, #tpu.memory_space<vmem>>, vector<1x3x1024xf32>
    %get3A_3 = vector.shape_cast %get3A_2 : vector<1x3x1024xf32> to vector<3x1024xf32>
    %convert_element_type3A = arith.truncf %get3A_3 : vector<3x1024xf32> to vector<3x1024xbf16>
    %dot_general3A = arith.constant dense<0.000000e+00> : vector<1024x1024xf32>
    %dot_general3A_4 = tpu.matmul %convert_element_type3A, %convert_element_type3A, %dot_general3A {dimension_numbers = #tpu.dot_dimension_numbers<[0], [0], [1], [1], [0, 1, 1, 1], [], []>, transpose_lhs_hint = false} : vector<3x1024xbf16>, vector<3x1024xbf16>, vector<1024x1024xf32> -> vector<1024x1024xf32>
    %mul3A = arith.mulf %get3A_3, %get3A_3 : vector<3x1024xf32>
    %reduce_sum3A = arith.constant dense<0.000000e+00> : vector<1024xf32>
    %reduce_sum3A_5 = vector.multi_reduction <add>, %mul3A, %reduce_sum3A [0] : vector<3x1024xf32> to vector<1024xf32>
    %broadcast_in_dim3A = vector.shape_cast %reduce_sum3A_5 : vector<1024xf32> to vector<1x1024xf32>
    %transpose3A = tpu.transpose %broadcast_in_dim3A, [1, 0] : vector<1x1024xf32> -> vector<1024x1xf32>
    %add3A = vector.broadcast %transpose3A : vector<1024x1xf32> to vector<1024x1024xf32>
    %add3A_6 = vector.broadcast %broadcast_in_dim3A : vector<1x1024xf32> to vector<1024x1024xf32>
    %add3A_7 = arith.addf %add3A, %add3A_6 : vector<1024x1024xf32>
    %mul3A_8 = arith.constant 2.000000e+00 : f32
    %mul3A_9 = vector.broadcast %mul3A_8 : f32 to vector<1024x1024xf32>
    %mul3A_10 = arith.mulf %mul3A_9, %dot_general3A_4 : vector<1024x1024xf32>
    %sub3A = arith.subf %add3A_7, %mul3A_10 : vector<1024x1024xf32>
    %swap3A = arith.constant 0 : index
    %swap3A_11 = arith.constant 0 : index
    %swap3A_12 = arith.constant 0 : index
    %swap3A_13 = vector.load %arg2[%swap3A, %swap3A_11, %swap3A_12] : memref<1x1024x1024xf32, #tpu.memory_space<vmem>>, vector<1x1024x1024xf32>
    %swap3A_14 = vector.shape_cast %swap3A_13 : vector<1x1024x1024xf32> to vector<1024x1024xf32>
    %swap3A_15 = vector.shape_cast %sub3A : vector<1024x1024xf32> to vector<1x1024x1024xf32>
    tpu.vector_store %arg2[%swap3A, %swap3A_11, %swap3A_12], %swap3A_15 {strides = array<i32>} : memref<1x1024x1024xf32, #tpu.memory_space<vmem>>, vector<1x1024x1024xf32>,
    return
  }
  func.func @transform_0(%arg0: i32) -> (i32, i32, i32) {
    %c0_i32 = arith.constant 0 : i32
    %c0_i32_0 = arith.constant 0 : i32
    %c0_i32_1 = arith.constant 0 : i32
    return %arg0, %c0_i32, %c0_i32_0 : i32, i32, i32
  }
  func.func @transform_1(%arg0: i32) -> (i32, i32, i32) {
    %c0_i32 = arith.constant 0 : i32
    %c0_i32_0 = arith.constant 0 : i32
    %c0_i32_1 = arith.constant 0 : i32
    return %arg0, %c0_i32, %c0_i32_0 : i32, i32, i32
  }
}

module attributes {stable_mosaic.version = 14 : i64} {
  func.func @_lap_body(%arg0: i32, %arg1: memref<1x1024x1024xf32, #tpu.memory_space<vmem>>, %arg2: memref<1x1x1024xf32, #tpu.memory_space<vmem>>, %arg3: memref<8x1024x1024xf32, #tpu.memory_space<any>>, %arg4: memref<1x1024x1024xf32, #tpu.memory_space<vmem>>) attributes {dimension_semantics = [#tpu.dimension_semantics<arbitrary>], iteration_bounds = array<i64: 2>, scalar_prefetch = 0 : i64, scratch_operands = 0 : i64, tpu.core_type = #tpu.core_type<tc>, window_params = [{transform_indices = @transform_0, window_bounds = array<i64: 1, 1024, 1024>}, {transform_indices = @transform_1, window_bounds = array<i64: 1, 1, 1024>}, {}, {transform_indices = @transform_3, window_bounds = array<i64: 1, 1024, 1024>}]} {
    %get3A = arith.constant 0 : index
    %get3A_0 = arith.constant 0 : index
    %get3A_1 = arith.constant 0 : index
    %get3A_2 = vector.load %arg1[%get3A, %get3A_0, %get3A_1] : memref<1x1024x1024xf32, #tpu.memory_space<vmem>>, vector<1x1024x1024xf32>
    %get3A_3 = vector.shape_cast %get3A_2 : vector<1x1024x1024xf32> to vector<1024x1024xf32>
    %get3A_4 = arith.constant 0 : index
    %get3A_5 = arith.constant 0 : index
    %get3A_6 = arith.constant 0 : index
    %get3A_7 = vector.load %arg2[%get3A_4, %get3A_5, %get3A_6] : memref<1x1x1024xf32, #tpu.memory_space<vmem>>, vector<1x1x1024xf32>
    %get3A_8 = vector.shape_cast %get3A_7 : vector<1x1x1024xf32> to vector<1x1024xf32>
    %transpose3A = tpu.transpose %get3A_8, [1, 0] : vector<1x1024xf32> -> vector<1024x1xf32>
    %mul3A = arith.constant -5.000000e-01 : f32
    %mul3A_9 = vector.broadcast %mul3A : f32 to vector<1024x1024xf32>
    %mul3A_10 = arith.mulf %mul3A_9, %get3A_3 : vector<1024x1024xf32>
    %exp3A = math.exp %mul3A_10 : vector<1024x1024xf32>
    %le3A = vector.broadcast %get3A_8 : vector<1x1024xf32> to vector<1024x1024xf32>
    %le3A_11 = arith.cmpf ole, %get3A_3, %le3A : vector<1024x1024xf32>
    %convert_element_type3A = arith.extui %le3A_11 : vector<1024x1024xi1> to vector<1024x1024xi32>
    %convert_element_type3A_12 = arith.sitofp %convert_element_type3A : vector<1024x1024xi32> to vector<1024x1024xf32>
    %le3A_13 = vector.broadcast %transpose3A : vector<1024x1xf32> to vector<1024x1024xf32>
    %le3A_14 = arith.cmpf ole, %get3A_3, %le3A_13 : vector<1024x1024xf32>
    %convert_element_type3A_15 = arith.extui %le3A_14 : vector<1024x1024xi1> to vector<1024x1024xi32>
    %convert_element_type3A_16 = arith.sitofp %convert_element_type3A_15 : vector<1024x1024xi32> to vector<1024x1024xf32>
    %add3A = arith.addf %convert_element_type3A_12, %convert_element_type3A_16 : vector<1024x1024xf32>
    %mul3A_17 = arith.constant 5.000000e-01 : f32
    %mul3A_18 = vector.broadcast %mul3A_17 : f32 to vector<1024x1024xf32>
    %mul3A_19 = arith.mulf %mul3A_18, %exp3A : vector<1024x1024xf32>
    %mul3A_20 = arith.mulf %mul3A_19, %add3A : vector<1024x1024xf32>
    %reduce_sum3A = arith.constant dense<0.000000e+00> : vector<1024xf32>
    %reduce_sum3A_21 = vector.multi_reduction <add>, %mul3A_20, %reduce_sum3A [0] : vector<1024x1024xf32> to vector<1024xf32>
    %broadcast_in_dim3A = vector.shape_cast %reduce_sum3A_21 : vector<1024xf32> to vector<1x1024xf32>
    %max3A = arith.constant 9.99999997E-7 : f32
    %max3A_22 = vector.broadcast %max3A : f32 to vector<1x1024xf32>
    %max3A_23 = arith.maximumf %broadcast_in_dim3A, %max3A_22 : vector<1x1024xf32>
    %rsqrt3A = math.rsqrt %max3A_23 : vector<1x1024xf32>
    %transpose3A_24 = tpu.transpose %rsqrt3A, [1, 0] : vector<1x1024xf32> -> vector<1024x1xf32>
    %mul3A_25 = vector.broadcast %transpose3A_24 : vector<1024x1xf32> to vector<1024x1024xf32>
    %mul3A_26 = arith.mulf %mul3A_25, %mul3A_20 : vector<1024x1024xf32>
    %mul3A_27 = vector.broadcast %rsqrt3A : vector<1x1024xf32> to vector<1024x1024xf32>
    %mul3A_28 = arith.mulf %mul3A_26, %mul3A_27 : vector<1024x1024xf32>
    %neg3A = arith.constant 0.000000e+00 : f32
    %neg3A_29 = vector.broadcast %neg3A : f32 to vector<1024x1024xf32>
    %neg3A_30 = arith.subf %neg3A_29, %mul3A_28 : vector<1024x1024xf32>
    %iota3A = tpu.iota {dimensions = array<i32: 0>} : vector<1024x1024xi32>
    %iota3A_31 = tpu.iota {dimensions = array<i32: 1>} : vector<1024x1024xi32>
    %eq3A = arith.cmpi eq, %iota3A, %iota3A_31 : vector<1024x1024xi32>
    %add3A_32 = arith.constant 1.000000e+00 : f32
    %add3A_33 = vector.broadcast %add3A_32 : f32 to vector<1024x1024xf32>
    %add3A_34 = arith.addf %add3A_33, %neg3A_30 : vector<1024x1024xf32>
    %select_n3A = arith.select %eq3A, %add3A_34, %neg3A_30 : vector<1024x1024xi1>, vector<1024x1024xf32>
    %swap3A = arith.constant 0 : index
    %swap3A_35 = arith.constant 0 : index
    %swap3A_36 = arith.constant 0 : index
    %swap3A_37 = vector.load %arg4[%swap3A, %swap3A_35, %swap3A_36] : memref<1x1024x1024xf32, #tpu.memory_space<vmem>>, vector<1x1024x1024xf32>
    %swap3A_38 = vector.shape_cast %swap3A_37 : vector<1x1024x1024xf32> to vector<1024x1024xf32>
    %swap3A_39 = vector.shape_cast %select_n3A : vector<1024x1024xf32> to vector<1x1024x1024xf32>
    tpu.vector_store %arg4[%swap3A, %swap3A_35, %swap3A_36], %swap3A_39 {strides = array<i32>} : memref<1x1024x1024xf32, #tpu.memory_space<vmem>>, vector<1x1024x1024xf32>,
    return
  }
  func.func @transform_0(%arg0: i32) -> (i32, i32, i32) {
    %c0_i32 = arith.constant 0 : i32
    %c0_i32_0 = arith.constant 0 : i32
    %c0_i32_1 = arith.constant 0 : i32
    return %arg0, %c0_i32, %c0_i32_0 : i32, i32, i32
  }
  func.func @transform_1(%arg0: i32) -> (i32, i32, i32) {
    %c0_i32 = arith.constant 0 : i32
    %c0_i32_0 = arith.constant 0 : i32
    %c0_i32_1 = arith.constant 0 : i32
    return %arg0, %c0_i32, %c0_i32_0 : i32, i32, i32
  }
  func.func @transform_3(%arg0: i32) -> (i32, i32, i32) {
    %c0_i32 = arith.constant 0 : i32
    %c0_i32_0 = arith.constant 0 : i32
    %c0_i32_1 = arith.constant 0 : i32
    return %arg0, %c0_i32, %c0_i32_0 : i32, i32, i32
  }
}

module attributes {stable_mosaic.version = 14 : i64} {
  func.func @_fused_body(%arg0: i32, %arg1: memref<1x3x1024xf32, #tpu.memory_space<vmem>>, %arg2: memref<1x1024x1024xf32, #tpu.memory_space<vmem>>) attributes {dimension_semantics = [#tpu.dimension_semantics<arbitrary>], iteration_bounds = array<i64: 6>, scalar_prefetch = 0 : i64, scratch_operands = 0 : i64, tpu.core_type = #tpu.core_type<tc>, window_params = [{transform_indices = @transform_0, window_bounds = array<i64: 1, 3, 1024>}, {transform_indices = @transform_1, window_bounds = array<i64: 1, 1024, 1024>}]} {
    %get3A = arith.constant 0 : index
    %get3A_0 = arith.constant 0 : index
    %get3A_1 = arith.constant 0 : index
    %get3A_2 = vector.load %arg1[%get3A, %get3A_0, %get3A_1] : memref<1x3x1024xf32, #tpu.memory_space<vmem>>, vector<1x3x1024xf32>
    %get3A_3 = vector.shape_cast %get3A_2 : vector<1x3x1024xf32> to vector<3x1024xf32>
    %convert_element_type3A = arith.truncf %get3A_3 : vector<3x1024xf32> to vector<3x1024xbf16>
    %dot_general3A = arith.constant dense<0.000000e+00> : vector<1024x1024xf32>
    %dot_general3A_4 = tpu.matmul %convert_element_type3A, %convert_element_type3A, %dot_general3A {dimension_numbers = #tpu.dot_dimension_numbers<[0], [0], [1], [1], [0, 1, 1, 1], [], []>, transpose_lhs_hint = false} : vector<3x1024xbf16>, vector<3x1024xbf16>, vector<1024x1024xf32> -> vector<1024x1024xf32>
    %iota3A = tpu.iota {dimensions = array<i32: 0>} : vector<1024x1024xi32>
    %iota3A_5 = tpu.iota {dimensions = array<i32: 1>} : vector<1024x1024xi32>
    %eq3A = arith.cmpi eq, %iota3A, %iota3A_5 : vector<1024x1024xi32>
    %mul3A = arith.mulf %get3A_3, %get3A_3 : vector<3x1024xf32>
    %reduce_sum3A = arith.constant dense<0.000000e+00> : vector<1024xf32>
    %reduce_sum3A_6 = vector.multi_reduction <add>, %mul3A, %reduce_sum3A [0] : vector<3x1024xf32> to vector<1024xf32>
    %broadcast_in_dim3A = vector.shape_cast %reduce_sum3A_6 : vector<1024xf32> to vector<1x1024xf32>
    %transpose3A = tpu.transpose %broadcast_in_dim3A, [1, 0] : vector<1x1024xf32> -> vector<1024x1xf32>
    %add3A = vector.broadcast %transpose3A : vector<1024x1xf32> to vector<1024x1024xf32>
    %add3A_7 = vector.broadcast %broadcast_in_dim3A : vector<1x1024xf32> to vector<1024x1024xf32>
    %add3A_8 = arith.addf %add3A, %add3A_7 : vector<1024x1024xf32>
    %mul3A_9 = arith.constant 2.000000e+00 : f32
    %mul3A_10 = vector.broadcast %mul3A_9 : f32 to vector<1024x1024xf32>
    %mul3A_11 = arith.mulf %mul3A_10, %dot_general3A_4 : vector<1024x1024xf32>
    %sub3A = arith.subf %add3A_8, %mul3A_11 : vector<1024x1024xf32>
    %broadcast_in_dim3A_12 = arith.constant -3.000000e+38 : f32
    %broadcast_in_dim3A_13 = vector.broadcast %broadcast_in_dim3A_12 : f32 to vector<1x1024xf32>
    %gt3A = vector.broadcast %broadcast_in_dim3A_13 : vector<1x1024xf32> to vector<1024x1024xf32>
    %gt3A_14 = arith.cmpf ogt, %sub3A, %gt3A : vector<1024x1024xf32>
    %jit3A = arith.constant 3.000000e+38 : f32
    %broadcast_in_dim3A_15 = vector.broadcast %jit3A : f32 to vector<1024x1024xf32>
    %select_n3A = arith.select %gt3A_14, %sub3A, %broadcast_in_dim3A_15 : vector<1024x1024xi1>, vector<1024x1024xf32>
    %reduce_min3A = arith.constant dense<0x7F800000> : vector<1024xf32>
    %reduce_min3A_16 = vector.multi_reduction <minimumf>, %select_n3A, %reduce_min3A [0] : vector<1024x1024xf32> to vector<1024xf32>
    %broadcast_in_dim3A_17 = vector.shape_cast %reduce_min3A_16 : vector<1024xf32> to vector<1x1024xf32>
    %gt3A_18 = vector.broadcast %broadcast_in_dim3A_17 : vector<1x1024xf32> to vector<1024x1024xf32>
    %gt3A_19 = arith.cmpf ogt, %sub3A, %gt3A_18 : vector<1024x1024xf32>
    %jit3A_20 = arith.constant 3.000000e+38 : f32
    %broadcast_in_dim3A_21 = vector.broadcast %jit3A_20 : f32 to vector<1024x1024xf32>
    %select_n3A_22 = arith.select %gt3A_19, %sub3A, %broadcast_in_dim3A_21 : vector<1024x1024xi1>, vector<1024x1024xf32>
    %reduce_min3A_23 = arith.constant dense<0x7F800000> : vector<1024xf32>
    %reduce_min3A_24 = vector.multi_reduction <minimumf>, %select_n3A_22, %reduce_min3A_23 [0] : vector<1024x1024xf32> to vector<1024xf32>
    %broadcast_in_dim3A_25 = vector.shape_cast %reduce_min3A_24 : vector<1024xf32> to vector<1x1024xf32>
    %gt3A_26 = vector.broadcast %broadcast_in_dim3A_25 : vector<1x1024xf32> to vector<1024x1024xf32>
    %gt3A_27 = arith.cmpf ogt, %sub3A, %gt3A_26 : vector<1024x1024xf32>
    %jit3A_28 = arith.constant 3.000000e+38 : f32
    %broadcast_in_dim3A_29 = vector.broadcast %jit3A_28 : f32 to vector<1024x1024xf32>
    %select_n3A_30 = arith.select %gt3A_27, %sub3A, %broadcast_in_dim3A_29 : vector<1024x1024xi1>, vector<1024x1024xf32>
    %reduce_min3A_31 = arith.constant dense<0x7F800000> : vector<1024xf32>
    %reduce_min3A_32 = vector.multi_reduction <minimumf>, %select_n3A_30, %reduce_min3A_31 [0] : vector<1024x1024xf32> to vector<1024xf32>
    %broadcast_in_dim3A_33 = vector.shape_cast %reduce_min3A_32 : vector<1024xf32> to vector<1x1024xf32>
    %gt3A_34 = vector.broadcast %broadcast_in_dim3A_33 : vector<1x1024xf32> to vector<1024x1024xf32>
    %gt3A_35 = arith.cmpf ogt, %sub3A, %gt3A_34 : vector<1024x1024xf32>
    %jit3A_36 = arith.constant 3.000000e+38 : f32
    %broadcast_in_dim3A_37 = vector.broadcast %jit3A_36 : f32 to vector<1024x1024xf32>
    %select_n3A_38 = arith.select %gt3A_35, %sub3A, %broadcast_in_dim3A_37 : vector<1024x1024xi1>, vector<1024x1024xf32>
    %reduce_min3A_39 = arith.constant dense<0x7F800000> : vector<1024xf32>
    %reduce_min3A_40 = vector.multi_reduction <minimumf>, %select_n3A_38, %reduce_min3A_39 [0] : vector<1024x1024xf32> to vector<1024xf32>
    %broadcast_in_dim3A_41 = vector.shape_cast %reduce_min3A_40 : vector<1024xf32> to vector<1x1024xf32>
    %gt3A_42 = vector.broadcast %broadcast_in_dim3A_41 : vector<1x1024xf32> to vector<1024x1024xf32>
    %gt3A_43 = arith.cmpf ogt, %sub3A, %gt3A_42 : vector<1024x1024xf32>
    %jit3A_44 = arith.constant 3.000000e+38 : f32
    %broadcast_in_dim3A_45 = vector.broadcast %jit3A_44 : f32 to vector<1024x1024xf32>
    %select_n3A_46 = arith.select %gt3A_43, %sub3A, %broadcast_in_dim3A_45 : vector<1024x1024xi1>, vector<1024x1024xf32>
    %reduce_min3A_47 = arith.constant dense<0x7F800000> : vector<1024xf32>
    %reduce_min3A_48 = vector.multi_reduction <minimumf>, %select_n3A_46, %reduce_min3A_47 [0] : vector<1024x1024xf32> to vector<1024xf32>
    %broadcast_in_dim3A_49 = vector.shape_cast %reduce_min3A_48 : vector<1024xf32> to vector<1x1024xf32>
    %gt3A_50 = vector.broadcast %broadcast_in_dim3A_49 : vector<1x1024xf32> to vector<1024x1024xf32>
    %gt3A_51 = arith.cmpf ogt, %sub3A, %gt3A_50 : vector<1024x1024xf32>
    %jit3A_52 = arith.constant 3.000000e+38 : f32
    %broadcast_in_dim3A_53 = vector.broadcast %jit3A_52 : f32 to vector<1024x1024xf32>
    %select_n3A_54 = arith.select %gt3A_51, %sub3A, %broadcast_in_dim3A_53 : vector<1024x1024xi1>, vector<1024x1024xf32>
    %reduce_min3A_55 = arith.constant dense<0x7F800000> : vector<1024xf32>
    %reduce_min3A_56 = vector.multi_reduction <minimumf>, %select_n3A_54, %reduce_min3A_55 [0] : vector<1024x1024xf32> to vector<1024xf32>
    %broadcast_in_dim3A_57 = vector.shape_cast %reduce_min3A_56 : vector<1024xf32> to vector<1x1024xf32>
    %gt3A_58 = vector.broadcast %broadcast_in_dim3A_57 : vector<1x1024xf32> to vector<1024x1024xf32>
    %gt3A_59 = arith.cmpf ogt, %sub3A, %gt3A_58 : vector<1024x1024xf32>
    %jit3A_60 = arith.constant 3.000000e+38 : f32
    %broadcast_in_dim3A_61 = vector.broadcast %jit3A_60 : f32 to vector<1024x1024xf32>
    %select_n3A_62 = arith.select %gt3A_59, %sub3A, %broadcast_in_dim3A_61 : vector<1024x1024xi1>, vector<1024x1024xf32>
    %reduce_min3A_63 = arith.constant dense<0x7F800000> : vector<1024xf32>
    %reduce_min3A_64 = vector.multi_reduction <minimumf>, %select_n3A_62, %reduce_min3A_63 [0] : vector<1024x1024xf32> to vector<1024xf32>
    %broadcast_in_dim3A_65 = vector.shape_cast %reduce_min3A_64 : vector<1024xf32> to vector<1x1024xf32>
    %gt3A_66 = vector.broadcast %broadcast_in_dim3A_65 : vector<1x1024xf32> to vector<1024x1024xf32>
    %gt3A_67 = arith.cmpf ogt, %sub3A, %gt3A_66 : vector<1024x1024xf32>
    %jit3A_68 = arith.constant 3.000000e+38 : f32
    %broadcast_in_dim3A_69 = vector.broadcast %jit3A_68 : f32 to vector<1024x1024xf32>
    %select_n3A_70 = arith.select %gt3A_67, %sub3A, %broadcast_in_dim3A_69 : vector<1024x1024xi1>, vector<1024x1024xf32>
    %reduce_min3A_71 = arith.constant dense<0x7F800000> : vector<1024xf32>
    %reduce_min3A_72 = vector.multi_reduction <minimumf>, %select_n3A_70, %reduce_min3A_71 [0] : vector<1024x1024xf32> to vector<1024xf32>
    %broadcast_in_dim3A_73 = vector.shape_cast %reduce_min3A_72 : vector<1024xf32> to vector<1x1024xf32>
    %gt3A_74 = vector.broadcast %broadcast_in_dim3A_73 : vector<1x1024xf32> to vector<1024x1024xf32>
    %gt3A_75 = arith.cmpf ogt, %sub3A, %gt3A_74 : vector<1024x1024xf32>
    %jit3A_76 = arith.constant 3.000000e+38 : f32
    %broadcast_in_dim3A_77 = vector.broadcast %jit3A_76 : f32 to vector<1024x1024xf32>
    %select_n3A_78 = arith.select %gt3A_75, %sub3A, %broadcast_in_dim3A_77 : vector<1024x1024xi1>, vector<1024x1024xf32>
    %reduce_min3A_79 = arith.constant dense<0x7F800000> : vector<1024xf32>
    %reduce_min3A_80 = vector.multi_reduction <minimumf>, %select_n3A_78, %reduce_min3A_79 [0] : vector<1024x1024xf32> to vector<1024xf32>
    %broadcast_in_dim3A_81 = vector.shape_cast %reduce_min3A_80 : vector<1024xf32> to vector<1x1024xf32>
    %gt3A_82 = vector.broadcast %broadcast_in_dim3A_81 : vector<1x1024xf32> to vector<1024x1024xf32>
    %gt3A_83 = arith.cmpf ogt, %sub3A, %gt3A_82 : vector<1024x1024xf32>
    %jit3A_84 = arith.constant 3.000000e+38 : f32
    %broadcast_in_dim3A_85 = vector.broadcast %jit3A_84 : f32 to vector<1024x1024xf32>
    %select_n3A_86 = arith.select %gt3A_83, %sub3A, %broadcast_in_dim3A_85 : vector<1024x1024xi1>, vector<1024x1024xf32>
    %reduce_min3A_87 = arith.constant dense<0x7F800000> : vector<1024xf32>
    %reduce_min3A_88 = vector.multi_reduction <minimumf>, %select_n3A_86, %reduce_min3A_87 [0] : vector<1024x1024xf32> to vector<1024xf32>
    %broadcast_in_dim3A_89 = vector.shape_cast %reduce_min3A_88 : vector<1024xf32> to vector<1x1024xf32>
    %gt3A_90 = vector.broadcast %broadcast_in_dim3A_89 : vector<1x1024xf32> to vector<1024x1024xf32>
    %gt3A_91 = arith.cmpf ogt, %sub3A, %gt3A_90 : vector<1024x1024xf32>
    %jit3A_92 = arith.constant 3.000000e+38 : f32
    %broadcast_in_dim3A_93 = vector.broadcast %jit3A_92 : f32 to vector<1024x1024xf32>
    %select_n3A_94 = arith.select %gt3A_91, %sub3A, %broadcast_in_dim3A_93 : vector<1024x1024xi1>, vector<1024x1024xf32>
    %reduce_min3A_95 = arith.constant dense<0x7F800000> : vector<1024xf32>
    %reduce_min3A_96 = vector.multi_reduction <minimumf>, %select_n3A_94, %reduce_min3A_95 [0] : vector<1024x1024xf32> to vector<1024xf32>
    %broadcast_in_dim3A_97 = vector.shape_cast %reduce_min3A_96 : vector<1024xf32> to vector<1x1024xf32>
    %gt3A_98 = vector.broadcast %broadcast_in_dim3A_97 : vector<1x1024xf32> to vector<1024x1024xf32>
    %gt3A_99 = arith.cmpf ogt, %sub3A, %gt3A_98 : vector<1024x1024xf32>
    %jit3A_100 = arith.constant 3.000000e+38 : f32
    %broadcast_in_dim3A_101 = vector.broadcast %jit3A_100 : f32 to vector<1024x1024xf32>
    %select_n3A_102 = arith.select %gt3A_99, %sub3A, %broadcast_in_dim3A_101 : vector<1024x1024xi1>, vector<1024x1024xf32>
    %reduce_min3A_103 = arith.constant dense<0x7F800000> : vector<1024xf32>
    %reduce_min3A_104 = vector.multi_reduction <minimumf>, %select_n3A_102, %reduce_min3A_103 [0] : vector<1024x1024xf32> to vector<1024xf32>
    %broadcast_in_dim3A_105 = vector.shape_cast %reduce_min3A_104 : vector<1024xf32> to vector<1x1024xf32>
    %gt3A_106 = vector.broadcast %broadcast_in_dim3A_105 : vector<1x1024xf32> to vector<1024x1024xf32>
    %gt3A_107 = arith.cmpf ogt, %sub3A, %gt3A_106 : vector<1024x1024xf32>
    %jit3A_108 = arith.constant 3.000000e+38 : f32
    %broadcast_in_dim3A_109 = vector.broadcast %jit3A_108 : f32 to vector<1024x1024xf32>
    %select_n3A_110 = arith.select %gt3A_107, %sub3A, %broadcast_in_dim3A_109 : vector<1024x1024xi1>, vector<1024x1024xf32>
    %reduce_min3A_111 = arith.constant dense<0x7F800000> : vector<1024xf32>
    %reduce_min3A_112 = vector.multi_reduction <minimumf>, %select_n3A_110, %reduce_min3A_111 [0] : vector<1024x1024xf32> to vector<1024xf32>
    %broadcast_in_dim3A_113 = vector.shape_cast %reduce_min3A_112 : vector<1024xf32> to vector<1x1024xf32>
    %gt3A_114 = vector.broadcast %broadcast_in_dim3A_113 : vector<1x1024xf32> to vector<1024x1024xf32>
    %gt3A_115 = arith.cmpf ogt, %sub3A, %gt3A_114 : vector<1024x1024xf32>
    %jit3A_116 = arith.constant 3.000000e+38 : f32
    %broadcast_in_dim3A_117 = vector.broadcast %jit3A_116 : f32 to vector<1024x1024xf32>
    %select_n3A_118 = arith.select %gt3A_115, %sub3A, %broadcast_in_dim3A_117 : vector<1024x1024xi1>, vector<1024x1024xf32>
    %reduce_min3A_119 = arith.constant dense<0x7F800000> : vector<1024xf32>
    %reduce_min3A_120 = vector.multi_reduction <minimumf>, %select_n3A_118, %reduce_min3A_119 [0] : vector<1024x1024xf32> to vector<1024xf32>
    %broadcast_in_dim3A_121 = vector.shape_cast %reduce_min3A_120 : vector<1024xf32> to vector<1x1024xf32>
    %gt3A_122 = vector.broadcast %broadcast_in_dim3A_121 : vector<1x1024xf32> to vector<1024x1024xf32>
    %gt3A_123 = arith.cmpf ogt, %sub3A, %gt3A_122 : vector<1024x1024xf32>
    %jit3A_124 = arith.constant 3.000000e+38 : f32
    %broadcast_in_dim3A_125 = vector.broadcast %jit3A_124 : f32 to vector<1024x1024xf32>
    %select_n3A_126 = arith.select %gt3A_123, %sub3A, %broadcast_in_dim3A_125 : vector<1024x1024xi1>, vector<1024x1024xf32>
    %reduce_min3A_127 = arith.constant dense<0x7F800000> : vector<1024xf32>
    %reduce_min3A_128 = vector.multi_reduction <minimumf>, %select_n3A_126, %reduce_min3A_127 [0] : vector<1024x1024xf32> to vector<1024xf32>
    %broadcast_in_dim3A_129 = vector.shape_cast %reduce_min3A_128 : vector<1024xf32> to vector<1x1024xf32>
    %gt3A_130 = vector.broadcast %broadcast_in_dim3A_129 : vector<1x1024xf32> to vector<1024x1024xf32>
    %gt3A_131 = arith.cmpf ogt, %sub3A, %gt3A_130 : vector<1024x1024xf32>
    %jit3A_132 = arith.constant 3.000000e+38 : f32
    %broadcast_in_dim3A_133 = vector.broadcast %jit3A_132 : f32 to vector<1024x1024xf32>
    %select_n3A_134 = arith.select %gt3A_131, %sub3A, %broadcast_in_dim3A_133 : vector<1024x1024xi1>, vector<1024x1024xf32>
    %reduce_min3A_135 = arith.constant dense<0x7F800000> : vector<1024xf32>
    %reduce_min3A_136 = vector.multi_reduction <minimumf>, %select_n3A_134, %reduce_min3A_135 [0] : vector<1024x1024xf32> to vector<1024xf32>
    %broadcast_in_dim3A_137 = vector.shape_cast %reduce_min3A_136 : vector<1024xf32> to vector<1x1024xf32>
    %transpose3A_138 = tpu.transpose %broadcast_in_dim3A_137, [1, 0] : vector<1x1024xf32> -> vector<1024x1xf32>
    %mul3A_139 = arith.constant -5.000000e-01 : f32
    %mul3A_140 = vector.broadcast %mul3A_139 : f32 to vector<1024x1024xf32>
    %mul3A_141 = arith.mulf %mul3A_140, %sub3A : vector<1024x1024xf32>
    %exp3A = math.exp %mul3A_141 : vector<1024x1024xf32>
    %le3A = vector.broadcast %broadcast_in_dim3A_137 : vector<1x1024xf32> to vector<1024x1024xf32>
    %le3A_142 = arith.cmpf ole, %sub3A, %le3A : vector<1024x1024xf32>
    %convert_element_type3A_143 = arith.extui %le3A_142 : vector<1024x1024xi1> to vector<1024x1024xi32>
    %convert_element_type3A_144 = arith.sitofp %convert_element_type3A_143 : vector<1024x1024xi32> to vector<1024x1024xf32>
    %le3A_145 = vector.broadcast %transpose3A_138 : vector<1024x1xf32> to vector<1024x1024xf32>
    %le3A_146 = arith.cmpf ole, %sub3A, %le3A_145 : vector<1024x1024xf32>
    %convert_element_type3A_147 = arith.extui %le3A_146 : vector<1024x1024xi1> to vector<1024x1024xi32>
    %convert_element_type3A_148 = arith.sitofp %convert_element_type3A_147 : vector<1024x1024xi32> to vector<1024x1024xf32>
    %add3A_149 = arith.addf %convert_element_type3A_144, %convert_element_type3A_148 : vector<1024x1024xf32>
    %mul3A_150 = arith.constant 5.000000e-01 : f32
    %mul3A_151 = vector.broadcast %mul3A_150 : f32 to vector<1024x1024xf32>
    %mul3A_152 = arith.mulf %mul3A_151, %exp3A : vector<1024x1024xf32>
    %mul3A_153 = arith.mulf %mul3A_152, %add3A_149 : vector<1024x1024xf32>
    %reduce_sum3A_154 = arith.constant dense<0.000000e+00> : vector<1024xf32>
    %reduce_sum3A_155 = vector.multi_reduction <add>, %mul3A_153, %reduce_sum3A_154 [0] : vector<1024x1024xf32> to vector<1024xf32>
    %broadcast_in_dim3A_156 = vector.shape_cast %reduce_sum3A_155 : vector<1024xf32> to vector<1x1024xf32>
    %max3A = arith.constant 9.99999997E-7 : f32
    %max3A_157 = vector.broadcast %max3A : f32 to vector<1x1024xf32>
    %max3A_158 = arith.maximumf %broadcast_in_dim3A_156, %max3A_157 : vector<1x1024xf32>
    %rsqrt3A = math.rsqrt %max3A_158 : vector<1x1024xf32>
    %transpose3A_159 = tpu.transpose %rsqrt3A, [1, 0] : vector<1x1024xf32> -> vector<1024x1xf32>
    %mul3A_160 = vector.broadcast %transpose3A_159 : vector<1024x1xf32> to vector<1024x1024xf32>
    %mul3A_161 = arith.mulf %mul3A_160, %mul3A_153 : vector<1024x1024xf32>
    %mul3A_162 = vector.broadcast %rsqrt3A : vector<1x1024xf32> to vector<1024x1024xf32>
    %mul3A_163 = arith.mulf %mul3A_161, %mul3A_162 : vector<1024x1024xf32>
    %neg3A = arith.constant 0.000000e+00 : f32
    %neg3A_164 = vector.broadcast %neg3A : f32 to vector<1024x1024xf32>
    %neg3A_165 = arith.subf %neg3A_164, %mul3A_163 : vector<1024x1024xf32>
    %add3A_166 = arith.constant 1.000000e+00 : f32
    %add3A_167 = vector.broadcast %add3A_166 : f32 to vector<1024x1024xf32>
    %add3A_168 = arith.addf %add3A_167, %neg3A_165 : vector<1024x1024xf32>
    %select_n3A_169 = arith.select %eq3A, %add3A_168, %neg3A_165 : vector<1024x1024xi1>, vector<1024x1024xf32>
    %swap3A = arith.constant 0 : index
    %swap3A_170 = arith.constant 0 : index
    %swap3A_171 = arith.constant 0 : index
    %swap3A_172 = vector.load %arg2[%swap3A, %swap3A_170, %swap3A_171] : memref<1x1024x1024xf32, #tpu.memory_space<vmem>>, vector<1x1024x1024xf32>
    %swap3A_173 = vector.shape_cast %swap3A_172 : vector<1x1024x1024xf32> to vector<1024x1024xf32>
    %swap3A_174 = vector.shape_cast %select_n3A_169 : vector<1024x1024xf32> to vector<1x1024x1024xf32>
    tpu.vector_store %arg2[%swap3A, %swap3A_170, %swap3A_171], %swap3A_174 {strides = array<i32>} : memref<1x1024x1024xf32, #tpu.memory_space<vmem>>, vector<1x1024x1024xf32>,
    return
  }
  func.func @transform_0(%arg0: i32) -> (i32, i32, i32) {
    %c0_i32 = arith.constant 0 : i32
    %c0_i32_0 = arith.constant 0 : i32
    %c0_i32_1 = arith.constant 0 : i32
    return %arg0, %c0_i32, %c0_i32_0 : i32, i32, i32
  }
  func.func @transform_1(%arg0: i32) -> (i32, i32, i32) {
    %add3A = arith.constant 2 : i32
    %add3A_0 = arith.addi %arg0, %add3A : i32
    %c0_i32 = arith.constant 0 : i32
    %c0_i32_1 = arith.constant 0 : i32
    %c0_i32_2 = arith.constant 0 : i32
    return %add3A_0, %c0_i32, %c0_i32_1 : i32, i32, i32
  }
}

</mosaic_0001>

<sc_bundles>
// kernel: kernel.6.cloned.1.call-start
scs
__scs_entry_jumppad:
0x0: {  	(pc) =	sbr.rel $0x88, $3  }
0x1: {  	(tag) =	ssettag $0x0;
	lr =	simm.s32 $0x1  }
0x2: {  	[smem:$0x3FA0] =	sst lr;
	_ =	strace $0xD0000000  }
0x3: {  	_ = 	snop  }
0x4: {  	_ = 	snop  }
0x5: {  	_ = 	snop  }
0x6: {  	_ = 	snop  }
0x7: {  	_ = 	snop  }
__scs_overlays_trampoline_lowered:
0x8: {  	[smem:$0x3FAF] =	sst s0  }
0x9: {  	[smem:$0x3FB0] =	sst s1  }
0xa: {  	[smem:$0x3FB1] =	sst s2  }
0xb: {  	[smem:$0x3FB2] =	sst s3  }
0xc: {  	[smem:$0x3FB3] =	sst s4  }
0xd: {  	[smem:$0x3FB4] =	sst s5  }
0xe: {  	[smem:$0x3FB5] =	sst s6  }
0xf: {  	[smem:$0x3FB6] =	sst s7  }
0x10: {  	[smem:$0x3FB7] =	sst s8  }
0x11: {  	[smem:$0x3FB8] =	sst s9;
	s0 =	simm.s32 @!p0 $0x0  }
0x12: {  	s1 =	sld [smem:$0x3F9E];
	s0 =	simm.s32 @p0 $0x1  }
0x13: {  	[smem:$0x3FB9] =	sst s0;
	s0 =	simm.s32 @!p1 $0x0  }
0x14: {  	s2 =	sld [smem:$0x3F9D];
	s0 =	simm.s32 @p1 $0x1  }
0x15: {  	[smem:$0x3FBA] =	sst s0;
	s0 =	simm.s32 @!p2 $0x0  }
0x16: {  	s3 =	sld [smem:$0x3FDB];
	s0 =	simm.s32 @p2 $0x1  }
0x17: {  	s4 =	simm.s32 $0x1BF5;
	[smem:$0x3FBC] =	sst s0  }
0x18: {  	s0 =	sld [smem:$0x3F9F];
	_ =	swait.ge [sflag:s4], $0x0  }
0x19: {  	s7 =	sld [smem:$0x3FA0]  }
0x1a: {  	s8 =	sadd.s32 $0xFFFFE003, lr  }
0x1b: {  	s9 =	sadd.s32 $0xFFFFFEF7, lr;
	s5 =	simm.s32 $0xFFFFFFFF;
	p2 =	slt.u32 s8, $0xFFFFF086  }
0x1c: {  	p1 =	slt.u32 s9, $0xF7A;
	s5 =	simm.s32 @!p2 $0x0  }
0x1d: {  	s5 =	simm.s32 @p1 $0x1;
	p0 =	seq.s32 s7, s2  }
0x1e: {  	s7 =	smul.u32 @!p0 $0xF7A, s2;
	p2 =	seq.s32 @!p0 s5, $0x0  }
0x1f: {  	s9 =	smul.u32 $0xF7A, s1;
	s8 =	simm.s32 @!p0 $0x1BF5;
	p2 =	por !p2, p0  }
0x20: {  	[sflag:s8] =	ssyncset.s32 @!p0 $0xFFFFF086;
	s6 =	sadd.s32 @!p0 s3, s7;
	s7 =	simm.s32 @!p0 $0x108  }
0x21: {  	s3 =	sadd.s32 s3, s9;
	s6 =	sadd.s32 @!p0 $0x88, s6;
	s7 =	simm.s32 @p2 $0x1082  }
0x22: {  	[simem:s7], [sflag:s8] =	dma.local @!p0 [hbm:s6], $0xF7A  }
0x23: {  	s9 =	sor.u32 $0xD0000000, s2;
	s6 =	simm.s32 $0x108;
	_ =	swait.ge @!p0 [sflag:s8], $0x0  }
0x24: {  	s3 =	sadd.s32 $0x88, s3;
	s6 =	simm.s32 @!p1 $0x1082;
	[sflag:s4] =	ssyncset.s32 $0xFFFFF086  }
0x25: {  	[simem:s6], [sflag:s4] =	dma.local [hbm:s3], $0xF7A  }
0x26: {  	[smem:$0x3FA0] =	sst s1;
	(tag) =	ssettag s2;
	_ =	strace s9  }
0x27: {  	s1 =	sld [smem:$0x3FB0]  }
0x28: {  	s2 =	sld [smem:$0x3FB1]  }
0x29: {  	s4 =	sld [smem:$0x3FB3]  }
0x2a: {  	p0 =	seq.s32 s5, $0x0;
	s5 =	sld [smem:$0x3FB4]  }
0x2b: {  	s6 =	sld [smem:$0x3FB5]  }
0x2c: {  	s7 =	sld [smem:$0x3FB6]  }
0x2d: {  	s3 =	simm.s32 $0x108;
	s8 =	sld [smem:$0x3FB7]  }
0x2e: {  	s3 =	simm.s32 @!p0 $0x1082;
	s9 =	sld [smem:$0x3FB8]  }
0x2f: {  	lr =	sadd.s32 s0, s3;
	s0 =	sld [smem:$0x3FAF]  }
0x30: {  	s3 =	sld [smem:$0x3FB2]  }
0x31: {  	[smem:$0x3FBB] =	sst s10  }
0x32: {  	s10 =	sld [smem:$0x3FB9];
	_ =	sdelay $0x3  }
0x33: {  	p0 =	seq.s32 s10, $0x1;
	s10 =	sld [smem:$0x3FBB];
	_ =	sdelay $0x3  }
0x34: {  	[smem:$0x3FBB] =	sst s10  }
0x35: {  	s10 =	sld [smem:$0x3FBA];
	_ =	sdelay $0x3  }
0x36: {  	p1 =	seq.s32 s10, $0x1;
	s10 =	sld [smem:$0x3FBB];
	_ =	sdelay $0x3  }
0x37: {  	[smem:$0x3FBB] =	sst s10  }
0x38: {  	s10 =	sld [smem:$0x3FBC]  }
0x39: {  	_ = 	snop;
	(pc) =	sbr.ind lr, $3  }
0x3a: {  	_ = 	snop  }
0x3b: {  	_ = 	snop  }
0x3c: {  	p2 =	seq.s32 s10, $0x1;
	s10 =	sld [smem:$0x3FBB]  }
0x3d: {  	_ =	shalt  }
0x3e: {  	_ =	shalt  }
0x3f: {  	_ =	shalt  }
0x40: {  	_ =	shalt  }
0x41: {  	_ =	shalt  }
0x42: {  	_ =	shalt  }
0x43: {  	_ =	shalt  }
0x44: {  	_ =	shalt  }
0x45: {  	_ =	shalt  }
0x46: {  	_ =	shalt  }
0x47: {  	_ =	shalt  }
0x48: {  	_ =	shalt  }
0x49: {  	_ =	shalt  }
0x4a: {  	_ =	shalt  }
0x4b: {  	_ =	shalt  }
0x4c: {  	_ =	shalt  }
0x4d: {  	_ =	shalt  }
0x4e: {  	_ =	shalt  }
0x4f: {  	_ =	shalt  }
0x50: {  	_ =	shalt  }
0x51: {  	_ =	shalt  }
0x52: {  	_ =	shalt  }
0x53: {  	_ =	shalt  }
0x54: {  	_ =	shalt  }
0x55: {  	_ =	shalt  }
0x56: {  	_ =	shalt  }
0x57: {  	_ =	shalt  }
0x58: {  	_ =	shalt  }
0x59: {  	_ =	shalt  }
0x5a: {  	_ =	shalt  }
0x5b: {  	_ =	shalt  }
0x5c: {  	_ =	shalt  }
0x5d: {  	_ =	shalt  }
0x5e: {  	_ =	shalt  }
0x5f: {  	_ =	shalt  }
0x60: {  	_ =	shalt  }
0x61: {  	_ =	shalt  }
0x62: {  	_ =	shalt  }
0x63: {  	_ =	shalt  }
0x64: {  	_ =	shalt  }
0x65: {  	_ =	shalt  }
0x66: {  	_ =	shalt  }
0x67: {  	_ =	shalt  }
0x68: {  	_ =	shalt  }
0x69: {  	_ =	shalt  }
0x6a: {  	_ =	shalt  }
0x6b: {  	_ =	shalt  }
0x6c: {  	_ =	shalt  }
0x6d: {  	_ =	shalt  }
0x6e: {  	_ =	shalt  }
0x6f: {  	_ =	shalt  }
0x70: {  	_ =	shalt  }
0x71: {  	_ =	shalt  }
0x72: {  	_ =	shalt  }
0x73: {  	_ =	shalt  }
0x74: {  	_ =	shalt  }
0x75: {  	_ =	shalt  }
0x76: {  	_ =	shalt  }
0x77: {  	_ =	shalt  }
0x78: {  	_ =	shalt  }
0x79: {  	_ =	shalt  }
0x7a: {  	_ =	shalt  }
0x7b: {  	_ =	shalt  }
0x7c: {  	_ =	shalt  }
0x7d: {  	_ =	shalt  }
0x7e: {  	_ =	shalt  }
0x7f: {  	_ =	shalt  }
0x80: {  	_ =	shalt  }
0x81: {  	_ =	shalt  }
0x82: {  	_ =	shalt  }
0x83: {  	_ =	shalt  }
0x84: {  	_ =	shalt  }
0x85: {  	_ =	shalt  }
0x86: {  	_ =	shalt  }
0x87: {  	_ =	shalt  }
.Lfunc_end0:
.L_simem_size_0:
called_computation_lowered:
.L_overlay_start_0:
0x88: {  	s2 =	sld [smem:$0x3FD9]  }
0x89: {  	s3 =	sld [smem:$0x3FFE];
	_ =	sdelay $0x1  }
0x8a: {  	s1 =	srdreg.scid  }
0x8b: {  	s0 =	sand.u32 $0x1, s1  }
0x8c: {  	s16 =	sshll.u32 s0, $0xA;
	s2 =	sadd.s32 s3, s2  }
0x8d: {  	s2 =	sadd.s32 s2, s16  }
0x8e: {  	[smem:$0x3FC7] =	sst s2  }
0x8f: {  	_ = 	snop  }
0x90: {  	(tm) =	ssettm $0x1  }
0x91: {  	s17 =	sld [smem:$0x3FFB];
	_ =	sdelay $0x3  }
0x92: {  	_ =	strace s17  }
0x93: {  	s2 =	sld [smem:$0x3FFC];
	_ =	sdelay $0x3  }
0x94: {  	_ =	strace s2  }
0x95: {  	s2 =	sld [smem:$0x3FFD];
	_ =	sdelay $0x3  }
0x96: {  	_ =	strace s2  }
0x97: {  	_ =	strace $0x8FFFFFFF  }
0x98: {  	s18 =	sld [smem:$0x3FDB];
	_ =	sdelay $0x1  }
0x99: {  	s19 =	simm.s32 $_scs_section_size  }
0x9a: {  	s4 =	simm.s32 $_size__tile_overlayer_lowered;
	s5 =	simm.s32 $_tile_overlayer_lowered  }
0x9b: {  	s22 =	simm.s32 $0x1BFF;
	s21 =	sshll.u32 s5, $0x1;
	s2 =	sadd.s32 s19, s18  }
0x9c: {  	s6 =	simm.s32 $0x0;
	s20 =	sshll.u32 s4, $0x1;
	s4 =	sadd.s32 s21, s2  }
0x9d: {  	[timem:s6], [sflag:s22] =	dma.local [hbm:s4], s20  }
0x9e: {  	_ =	swait.ge [sflag:s22], s20  }
0x9f: {  	s3 =	ssub.s32 $0x0, s20;
	[sflag:s22] =	ssyncset.done $0x0  }
0xa0: {  	[sflag:s22] =	ssyncadd.s32 s3;
	_ =	sdelay $0x1  }
0xa1: {  	s23 =	simm.s32 $0x1B8B  }
0xa2: {  	_ =	swait.ge [sflag:s23], $0x1  }
0xa3: {  	[sflag:s23] =	ssyncset.done $0x0  }
0xa4: {  	s25 =	simm.s32 $0x1B8E;
	s24 =	sld [smem:$0x3FFE];
	[sflag:s23] =	ssyncadd.s32 $0xFFFFFFFF  }
0xa5: {  	s26 =	simm.s32 $execute0_lowered;
	[smem:$0x3FD2] =	sst s25  }
0xa6: {  	s4 =	sshll.u32 s26, $0x1;
	_ =	strace $0x80000046;
	[dreg:$0x1] =	wrdreg $0xFFFFFFFF  }
0xa7: {  	s28 =	simm.s32 $_size_execute0_lowered;
	s2 =	sadd.s32 s2, s4;
	[dreg:$0x0] =	wrdreg $0x0  }
0xa8: {  	s4 =	sshll.u32 s28, $0x1;
	[dreg:$0x2] =	wrdreg s2  }
0xa9: {  	[dreg:$0x3] =	wrdreg s4  }
0xaa: {  	[dreg:$0x4] =	wrdreg $0xC0  }
0xab: {  	_ =	task [dreg:s6], $0x5FFFF  }
0xac: {  	[dreg:$0x1] =	wrdreg $0xFFFFFFFF  }
0xad: {  	[dreg:$0x0] =	wrdreg $0x60  }
0xae: {  	[dreg:$0x2] =	wrdreg s24  }
0xaf: {  	[dreg:$0x3] =	wrdreg $0x9  }
0xb0: {  	_ =	task.clear_ibuf [dreg:s6], $0x4FFFF;
	_ =	strace $0x90000046  }
0xb1: {  	s29 =	simm.s32 $0x9;
	_ =	strace $0x80000048  }
0xb2: {  	_ =	swait.ge [sflag:s29], $0x1  }
0xb3: {  	[sflag:s29] =	ssyncadd.s32 $0xFFFFFFFF  }
0xb4: {  	_ =	strace $0x90000048  }
0xb5: {  	_ =	sfence  }
0xb6: {  	s30 =	sld [smem:$0x0];
	_ =	sdelay $0x2  }
0xb7: {  	s31 =	sshll.u32 s1, $0xD;
	s1 =	sshrl.u32 s1, $0x2  }
0xb8: {  	s3 =	sand.u32 $0x4000, s31;
	s1 =	sadd.s32 s1, s30  }
0xb9: {  	s0 =	sor.u32 s3, s0;
	s1 =	sshll.u32 s1, $0x11  }
0xba: {  	s0 =	sor.u32 s1, s0  }
0xbb: {  	s0 =	sadd.s32 $0x8F2B, s0  }
0xbc: {  	[sflag:s0] =	ssyncadd.remote.s32 $0x1  }
0xbd: {  	_ =	sfence.sel $0xFFFF  }
0xbe: {  	[dreg:$0x0] =	wrdreg $0xFFFFFFFF;
	(pc) =	sbr.abs _section_cstart, $3  }
0xbf: {  	[dreg:$0x1] =	wrdreg $0xFFFFFFFF  }
0xc0: {  	_ =	task.clear_ibuf [dreg:s6], $0x2FFFF;
	_ =	strace $0x9FFFFFFF  }
0xc1: {  	(tm) =	ssettm $0x7FFFFFFF  }
tec
execute0_lowered:
.L_overlay_start_1:
0x0: {  	(tag) =	ssettag $0x1  }
0x1: {  	s3 =	rddreg [dreg:$0x0]  }
0x2: {  	s0 =	rddreg [dreg:$0x1];
	s4 =	srdreg.scid;
	s2 =	simm.s32 $0x0  }
0x3: {  	s1 =	stileid.u32;
	s8 =	simm.s32 $0x0;
	s4 =	sand.u32 $0x1, s4  }
0x4: {  	[smem:$0x7FF] =	sst s2;
	s5 =	sshll.u32 s1, $0x7;
	s6 =	sshll.u32 s4, $0x6  }
.Ltmp0:
0x5: {  	_ =	strace $0x80000047;
	s5 =	sor.u32 s6, s5;
	(pc) =	sbr.rel .LBB2_1-.Ltmp0, $4  }
0x6: {  	v0 =	vlaneseq.u32;
	s4 =	ssub.s32 $0x2, s4;
	s6 =	sshll.u32 s5, $0x7;
	s5 =	sshll.u32 s5, $0x4  }
0x7: {  	v0 =	vmul.u32 $0xFFFFFFFF, v0;
	s7 =	sshrl.u32 s4, $0x1;
	s6 =	sadd.s32 s6, s3;
	s5 =	sadd.s32 s5, s3  }
0x8: {  	s7 =	ssub.s32 s4, s7;
	s3 =	sadd.s32 $0xC00, s6;
	s4 =	sadd.s32 $0x40C00, s5  }
0x9: {  	v0 =	vadd.s32 $0xF, v0;
	s5 =	smax.u32 s7, $0x1;
	s6 =	simm.s32 $0x1;
	s7 =	simm.s32 $0x10000  }
.LBB2_11:
0xa: {  	s8 =	sadd.s32 $0x1, s8  }
0xb: {  	p0 =	sne.s32 s8, s5  }
.Ltmp1:
0xc: {  	_ = 	snop;
	(pc) =	sbr.rel @!p0 .LBB2_12-.Ltmp1, $4  }
0xd: {  	[hbm4b:s4+s2] =	stream.linear.scatter [tilespmem:s7], [sflag:$0x1], $0x2000, $0x38;
	[tilespmem:$0x12480] =	vst v63  }
0xe: {  	_ =	swait.ge [sflag:s6], $0x2000  }
0xf: {  	[sflag:s6] =	ssyncset.done $0x0  }
0x10: {  	[sflag:s6] =	ssyncadd.s32 $0xFFFFE000  }
.LBB2_1:
.Ltmp2:
0x11: {  	(pc) =	sbr.rel .LBB2_2-.Ltmp2, $4  }
0x12: {  	[tilespmem:s2], [sflag:$0x1] =	stream.linear.gather [hbm4b:s3+s2], $0x10000, $0x38;
	[tilespmem:$0x12480] =	vst v63  }
0x13: {  	_ =	swait.ge [sflag:s6], $0x10000  }
0x14: {  	[sflag:s6] =	ssyncset.done $0x0  }
0x15: {  	s9 =	simm.s32 $0x0;
	[sflag:s6] =	ssyncadd.s32 $0xFFFF0000  }
.LBB2_4:
0x16: {  	_ = 	snop  }
.LBB2_9:
0x17: {  	v3, _, _ =	vpop @p0 (xrf1)  }
0x18: {  	v3 =	vperm.xlane @p0 v3, v0;
	v4, _, _ =	vpop @p1 (xrf1)  }
0x19: {  	v4 =	vpsel p1, v4, v1  }
0x1a: {  	(xrf1) =	vsort.ascd.msk.f32 $0xffff, v2, v2;
	v2 =	vmin.f32 @p0 v4, v3  }
0x1b: {  	(xrf1) =	vsort.ascd.msk.f32 @p0 $0xffff, v2, v2;
	_ =	sdelay $0xc  }
0x1c: {  	v2, _, _ =	vpop (xrf1)  }
0x1d: {  	v2 =	vperm.xlane v2, v0;
	v3, _, _ =	vpop @p0 (xrf1)  }
0x1e: {  	v1 =	vpsel p0, v3, v1  }
0x1f: {  	v1 =	vmin.f32 v1, v2  }
0x20: {  	(xrf1) =	vsort.ascd.msk.f32 $0xffff, v1, v1;
	_ =	sdelay $0xd  }
0x21: {  	v1, _, _ =	vpop (xrf1)  }
.LBB2_10:
0x22: {  	s9 =	sadd.s32 $0x1, s9  }
0x23: {  	p0 =	sne.s32 s9, $0x40  }
.Ltmp3:
0x24: {  	_ = 	snop;
	(pc) =	sbr.rel @!p0 .LBB2_11-.Ltmp3, $3  }
0x25: {  	_ =	sdelay $0x1  }
0x26: {  	s10 =	sand.u32 $0x3FFFFF80, s10  }
0x27: {  	[tilespmem:s10+$0x10000] =	vst v1  }
.LBB2_2:
0x28: {  	s12 =	sshll.u32 s9, $0xA;
	s10 =	sshll.u32 s9, $0x7  }
0x29: {  	s11 =	sand.u32 $0xE000, s12;
	s13 =	sand.u32 $0x380, s10  }
0x2a: {  	s11 =	sor.u32 s13, s11  }
0x2b: {  	v2 =	vld [tilespmem:s11+$0x0]  }
0x2c: {  	v1 =	vld [tilespmem:s11+$0x10]  }
0x2d: {  	v3 =	vld [tilespmem:s11+$0x20]  }
0x2e: {  	v4 =	vld [tilespmem:s11+$0x30]  }
0x2f: {  	v5 =	vld [tilespmem:s11+$0x40]  }
0x30: {  	v6 =	vld [tilespmem:s11+$0x50]  }
0x31: {  	v7 =	vld [tilespmem:s11+$0x60];
	v1 =	vmin.f32 v2, v1  }
0x32: {  	v1 =	vmin.f32 v1, v3;
	v3 =	vld [tilespmem:s11+$0x70]  }
0x33: {  	v19 =	vld [tilespmem:s11+$0x400];
	v1 =	vmin.f32 v1, v4  }
0x34: {  	v20 =	vld [tilespmem:s11+$0x410];
	v1 =	vmin.f32 v1, v5  }
0x35: {  	v21 =	vld [tilespmem:s11+$0x420];
	v1 =	vmin.f32 v1, v6  }
0x36: {  	v22 =	vld [tilespmem:s11+$0x430];
	v1 =	vmin.f32 v1, v7  }
0x37: {  	v1 =	vmin.f32 v1, v3;
	v3 =	vld [tilespmem:s11+$0x440]  }
0x38: {  	v23 =	vld [tilespmem:s11+$0x450];
	v1 =	vmin.f32 v1, v19  }
0x39: {  	v24 =	vld [tilespmem:s11+$0x460];
	v1 =	vmin.f32 v1, v20  }
0x3a: {  	v25 =	vld [tilespmem:s11+$0x470];
	v1 =	vmin.f32 v1, v21  }
0x3b: {  	v26 =	vld [tilespmem:s11+$0x800];
	v1 =	vmin.f32 v1, v22  }
0x3c: {  	v1 =	vmin.f32 v1, v3;
	v3 =	vld [tilespmem:s11+$0x810]  }
0x3d: {  	v27 =	vld [tilespmem:s11+$0x820];
	v1 =	vmin.f32 v1, v23  }
0x3e: {  	v28 =	vld [tilespmem:s11+$0x830];
	v1 =	vmin.f32 v1, v24  }
0x3f: {  	v29 =	vld [tilespmem:s11+$0x840];
	v1 =	vmin.f32 v1, v25  }
0x40: {  	v30 =	vld [tilespmem:s11+$0x850];
	v1 =	vmin.f32 v1, v26  }
0x41: {  	v1 =	vmin.f32 v1, v3;
	v3 =	vld [tilespmem:s11+$0x860]  }
0x42: {  	v31 =	vld [tilespmem:s11+$0x870];
	v1 =	vmin.f32 v1, v27  }
0x43: {  	v32 =	vld [tilespmem:s11+$0xC00];
	v1 =	vmin.f32 v1, v28  }
0x44: {  	v33 =	vld [tilespmem:s11+$0xC10];
	v1 =	vmin.f32 v1, v29  }
0x45: {  	v34 =	vld [tilespmem:s11+$0xC20];
	v1 =	vmin.f32 v1, v30  }
0x46: {  	v1 =	vmin.f32 v1, v3;
	v3 =	vld [tilespmem:s11+$0xC30]  }
0x47: {  	v35 =	vld [tilespmem:s11+$0xC40];
	v1 =	vmin.f32 v1, v31  }
0x48: {  	v36 =	vld [tilespmem:s11+$0xC50];
	v1 =	vmin.f32 v1, v32  }
0x49: {  	v37 =	vld [tilespmem:s11+$0xC60];
	v1 =	vmin.f32 v1, v33  }
0x4a: {  	v38 =	vld [tilespmem:s11+$0xC70];
	v1 =	vmin.f32 v1, v34  }
0x4b: {  	v1 =	vmin.f32 v1, v3;
	v3 =	vld [tilespmem:s11+$0x1000]  }
0x4c: {  	v39 =	vld [tilespmem:s11+$0x1010];
	v1 =	vmin.f32 v1, v35  }
0x4d: {  	v40 =	vld [tilespmem:s11+$0x1020];
	v1 =	vmin.f32 v1, v36  }
0x4e: {  	v41 =	vld [tilespmem:s11+$0x1030];
	v1 =	vmin.f32 v1, v37  }
0x4f: {  	v42 =	vld [tilespmem:s11+$0x1040];
	v1 =	vmin.f32 v1, v38  }
0x50: {  	v1 =	vmin.f32 v1, v3;
	v3 =	vld [tilespmem:s11+$0x1050]  }
0x51: {  	v43 =	vld [tilespmem:s11+$0x1060];
	v1 =	vmin.f32 v1, v39  }
0x52: {  	v44 =	vld [tilespmem:s11+$0x1070];
	v1 =	vmin.f32 v1, v40  }
0x53: {  	v45 =	vld [tilespmem:s11+$0x1400];
	v1 =	vmin.f32 v1, v41  }
0x54: {  	v46 =	vld [tilespmem:s11+$0x1410];
	v1 =	vmin.f32 v1, v42  }
0x55: {  	v1 =	vmin.f32 v1, v3;
	v3 =	vld [tilespmem:s11+$0x1420]  }
0x56: {  	v47 =	vld [tilespmem:s11+$0x1430];
	v1 =	vmin.f32 v1, v43  }
0x57: {  	v48 =	vld [tilespmem:s11+$0x1440];
	v1 =	vmin.f32 v1, v44  }
0x58: {  	v49 =	vld [tilespmem:s11+$0x1450];
	v1 =	vmin.f32 v1, v45  }
0x59: {  	v50 =	vld [tilespmem:s11+$0x1460];
	v1 =	vmin.f32 v1, v46  }
0x5a: {  	v1 =	vmin.f32 v1, v3;
	v3 =	vld [tilespmem:s11+$0x1470]  }
0x5b: {  	v51 =	vld [tilespmem:s11+$0x1800];
	v1 =	vmin.f32 v1, v47  }
0x5c: {  	v52 =	vld [tilespmem:s11+$0x1810];
	v1 =	vmin.f32 v1, v48  }
0x5d: {  	v53 =	vld [tilespmem:s11+$0x1820];
	v1 =	vmin.f32 v1, v49  }
0x5e: {  	v54 =	vld [tilespmem:s11+$0x1830];
	v1 =	vmin.f32 v1, v50  }
0x5f: {  	v1 =	vmin.f32 v1, v3;
	v3 =	vld [tilespmem:s11+$0x1840]  }
0x60: {  	v55 =	vld [tilespmem:s11+$0x1850];
	v1 =	vmin.f32 v1, v51  }
0x61: {  	s12 =	sor.u32 s12, s13;
	v56 =	vld [tilespmem:s11+$0x1860];
	v1 =	vmin.f32 v1, v52  }
0x62: {  	v57 =	vld [tilespmem:s11+$0x1870];
	s20 =	sor.u32 $0x1C00, s12;
	v1 =	vmin.f32 v1, v53  }
0x63: {  	s19 =	sor.u32 $0x1C10, s12;
	v58 =	vld [tilespmem:s20+$0x0];
	v1 =	vmin.f32 v1, v54  }
0x64: {  	s18 =	sor.u32 $0x1C20, s12;
	v1 =	vmin.f32 v1, v3;
	v3 =	vld [tilespmem:s19+$0x0]  }
0x65: {  	s17 =	sor.u32 $0x1C30, s12;
	v59 =	vld [tilespmem:s18+$0x0];
	v1 =	vmin.f32 v1, v55  }
0x66: {  	s16 =	sor.u32 $0x1C40, s12;
	v60 =	vld [tilespmem:s17+$0x0];
	v1 =	vmin.f32 v1, v56  }
0x67: {  	s15 =	sor.u32 $0x1C50, s12;
	v61 =	vld [tilespmem:s16+$0x0];
	v1 =	vmin.f32 v1, v57  }
0x68: {  	s14 =	sor.u32 $0x1C60, s12;
	v62 =	vld [tilespmem:s15+$0x0];
	v1 =	vmin.f32 v1, v58  }
0x69: {  	s13 =	sor.u32 $0x1C70, s12;
	v1 =	vmin.f32 v1, v3;
	v3 =	vld [tilespmem:s14+$0x0]  }
0x6a: {  	v63 =	vld [tilespmem:s13+$0x0];
	v1 =	vmin.f32 v1, v59  }
0x6b: {  	v1 =	vmin.f32 v1, v60  }
0x6c: {  	v1 =	vmin.f32 v1, v61  }
0x6d: {  	v1 =	vmin.f32 v1, v62  }
0x6e: {  	v1 =	vmin.f32 v1, v3  }
0x6f: {  	v1 =	vmin.f32 v1, v63  }
0x70: {  	(xrf1) =	vsort.ascd.msk.f32 $0xffff, v1, v1;
	_ =	sdelay $0xd  }
0x71: {  	v1, _, _ =	vpop (xrf1)  }
0x72: {  	v1 =	vbroadcast v1, $0xF;
	_ =	sdelay $0x1  }
0x73: {  	s12 =	simm.s32 $0x12000;
	vm0 =	vle.f32 v2, v1  }
0x74: {  	[tilespmem:s12+$0x0] =	vst.msk vm0, v2  }
0x75: {  	v2 =	vmpcnt.ones.xlane vm0;
	v3 =	vld [tilespmem:s11+$0x10];
	_ =	sdelay $0x1  }
0x76: {  	(v2sf) =	vpush v2, $0x0;
	_ =	sdelay $0x2  }
0x77: {  	vm13 =	vle.f32 v3, v1  }
0x78: {  	v2 =	vmpcnt.ones.xlane vm13;
	_ =	sdelay $0x1  }
0x79: {  	(v2sf) =	vpush v2, $0x0;
	_ =	sdelay $0x8  }
0x7a: {  	s21 =	spop (v2sf)  }
0x7b: {  	[tilespmem:s21+$0x12000] =	vst.msk vm13, v3  }
0x7c: {  	v2 =	vld [tilespmem:s11+$0x20];
	_ =	sdelay $0x3  }
0x7d: {  	s22 =	spop (v2sf)  }
0x7e: {  	vm14 =	vle.f32 v2, v1;
	s21 =	sadd.s32 s21, s22  }
0x7f: {  	[tilespmem:s21+$0x12000] =	vst.msk vm14, v2;
	v2 =	vmpcnt.ones.xlane vm14  }
0x80: {  	v3 =	vld [tilespmem:s11+$0x30]  }
0x81: {  	(v2sf) =	vpush v2, $0x0;
	_ =	sdelay $0x3  }
0x82: {  	vm15 =	vle.f32 v3, v1  }
0x83: {  	v2 =	vmpcnt.ones.xlane vm15;
	_ =	sdelay $0x1  }
0x84: {  	(v2sf) =	vpush v2, $0x0;
	_ =	sdelay $0x7  }
0x85: {  	s24 =	spop (v2sf)  }
0x86: {  	s21 =	sadd.s32 s21, s24  }
0x87: {  	[tilespmem:s21+$0x12000] =	vst.msk vm15, v3  }
0x88: {  	v2 =	vld [tilespmem:s11+$0x40];
	_ =	sdelay $0x3  }
0x89: {  	s25 =	spop (v2sf)  }
0x8a: {  	s21 =	sadd.s32 s21, s25;
	vm4 =	vle.f32 v2, v1  }
0x8b: {  	[tilespmem:s21+$0x12000] =	vst.msk vm4, v2;
	v2 =	vmpcnt.ones.xlane vm4  }
0x8c: {  	v3 =	vld [tilespmem:s11+$0x50]  }
0x8d: {  	(v2sf) =	vpush v2, $0x0;
	_ =	sdelay $0x3  }
0x8e: {  	vm5 =	vle.f32 v3, v1  }
0x8f: {  	v2 =	vmpcnt.ones.xlane vm5;
	_ =	sdelay $0x1  }
0x90: {  	(v2sf) =	vpush v2, $0x0;
	_ =	sdelay $0x7  }
0x91: {  	s26 =	spop (v2sf)  }
0x92: {  	s21 =	sadd.s32 s21, s26  }
0x93: {  	[tilespmem:s21+$0x12000] =	vst.msk vm5, v3  }
0x94: {  	v2 =	vld [tilespmem:s11+$0x60];
	_ =	sdelay $0x3  }
0x95: {  	s28 =	spop (v2sf)  }
0x96: {  	s21 =	sadd.s32 s21, s28;
	vm6 =	vle.f32 v2, v1  }
0x97: {  	[tilespmem:s21+$0x12000] =	vst.msk vm6, v2;
	v2 =	vmpcnt.ones.xlane vm6  }
0x98: {  	v3 =	vld [tilespmem:s11+$0x70]  }
0x99: {  	(v2sf) =	vpush v2, $0x0;
	_ =	sdelay $0x3  }
0x9a: {  	vm7 =	vle.f32 v3, v1  }
0x9b: {  	v2 =	vmpcnt.ones.xlane vm7;
	_ =	sdelay $0x1  }
0x9c: {  	(v2sf) =	vpush v2, $0x0;
	_ =	sdelay $0x7  }
0x9d: {  	s29 =	spop (v2sf)  }
0x9e: {  	s21 =	sadd.s32 s21, s29  }
0x9f: {  	[tilespmem:s21+$0x12000] =	vst.msk vm7, v3  }
0xa0: {  	v2 =	vld [tilespmem:s11+$0x400];
	_ =	sdelay $0x3  }
0xa1: {  	s30 =	spop (v2sf)  }
0xa2: {  	s21 =	sadd.s32 s21, s30;
	vm8 =	vle.f32 v2, v1  }
0xa3: {  	[tilespmem:s21+$0x12000] =	vst.msk vm8, v2;
	v2 =	vmpcnt.ones.xlane vm8  }
0xa4: {  	v3 =	vld [tilespmem:s11+$0x410]  }
0xa5: {  	(v2sf) =	vpush v2, $0x0;
	_ =	sdelay $0x3  }
0xa6: {  	vm9 =	vle.f32 v3, v1  }
0xa7: {  	v2 =	vmpcnt.ones.xlane vm9;
	_ =	sdelay $0x1  }
0xa8: {  	(v2sf) =	vpush v2, $0x0;
	_ =	sdelay $0x7  }
0xa9: {  	s31 =	spop (v2sf)  }
0xaa: {  	s21 =	sadd.s32 s21, s31  }
0xab: {  	[tilespmem:s21+$0x12000] =	vst.msk vm9, v3  }
0xac: {  	v2 =	vld [tilespmem:s11+$0x420];
	_ =	sdelay $0x3  }
0xad: {  	s23 =	spop (v2sf)  }
0xae: {  	s21 =	sadd.s32 s21, s23;
	vm10 =	vle.f32 v2, v1  }
0xaf: {  	[tilespmem:s21+$0x12000] =	vst.msk vm10, v2;
	v2 =	vmpcnt.ones.xlane vm10  }
0xb0: {  	v3 =	vld [tilespmem:s11+$0x430]  }
0xb1: {  	(v2sf) =	vpush v2, $0x0;
	_ =	sdelay $0x3  }
0xb2: {  	vm11 =	vle.f32 v3, v1  }
0xb3: {  	v2 =	vmpcnt.ones.xlane vm11;
	_ =	sdelay $0x1  }
0xb4: {  	(v2sf) =	vpush v2, $0x0;
	_ =	sdelay $0x7  }
0xb5: {  	s24 =	spop (v2sf)  }
0xb6: {  	s21 =	sadd.s32 s21, s24  }
0xb7: {  	[tilespmem:s21+$0x12000] =	vst.msk vm11, v3  }
0xb8: {  	v2 =	vld [tilespmem:s11+$0x440];
	_ =	sdelay $0x3  }
0xb9: {  	s25 =	spop (v2sf)  }
0xba: {  	s21 =	sadd.s32 s21, s25;
	vm12 =	vle.f32 v2, v1  }
0xbb: {  	[tilespmem:s21+$0x12000] =	vst.msk vm12, v2;
	v2 =	vmpcnt.ones.xlane vm12  }
0xbc: {  	v3 =	vld [tilespmem:s11+$0x450]  }
0xbd: {  	(v2sf) =	vpush v2, $0x0;
	_ =	sdelay $0x3  }
0xbe: {  	vm13 =	vle.f32 v3, v1  }
0xbf: {  	v2 =	vmpcnt.ones.xlane vm13;
	_ =	sdelay $0x1  }
0xc0: {  	(v2sf) =	vpush v2, $0x0;
	_ =	sdelay $0x7  }
0xc1: {  	s26 =	spop (v2sf)  }
0xc2: {  	s21 =	sadd.s32 s21, s26  }
0xc3: {  	[tilespmem:s21+$0x12000] =	vst.msk vm13, v3  }
0xc4: {  	v2 =	vld [tilespmem:s11+$0x460];
	_ =	sdelay $0x3  }
0xc5: {  	s28 =	spop (v2sf)  }
0xc6: {  	s21 =	sadd.s32 s21, s28;
	vm14 =	vle.f32 v2, v1  }
0xc7: {  	[tilespmem:s21+$0x12000] =	vst.msk vm14, v2;
	v2 =	vmpcnt.ones.xlane vm14  }
0xc8: {  	v3 =	vld [tilespmem:s11+$0x470]  }
0xc9: {  	(v2sf) =	vpush v2, $0x0;
	_ =	sdelay $0x3  }
0xca: {  	vm15 =	vle.f32 v3, v1  }
0xcb: {  	v2 =	vmpcnt.ones.xlane vm15;
	_ =	sdelay $0x1  }
0xcc: {  	(v2sf) =	vpush v2, $0x0;
	_ =	sdelay $0x7  }
0xcd: {  	s29 =	spop (v2sf)  }
0xce: {  	s21 =	sadd.s32 s21, s29  }
0xcf: {  	[tilespmem:s21+$0x12000] =	vst.msk vm15, v3  }
0xd0: {  	v2 =	vld [tilespmem:s11+$0x800];
	_ =	sdelay $0x3  }
0xd1: {  	s30 =	spop (v2sf)  }
0xd2: {  	s21 =	sadd.s32 s21, s30;
	vm4 =	vle.f32 v2, v1  }
0xd3: {  	[tilespmem:s21+$0x12000] =	vst.msk vm4, v2;
	v2 =	vmpcnt.ones.xlane vm4  }
0xd4: {  	v3 =	vld [tilespmem:s11+$0x810]  }
0xd5: {  	(v2sf) =	vpush v2, $0x0;
	_ =	sdelay $0x3  }
0xd6: {  	vm5 =	vle.f32 v3, v1  }
0xd7: {  	v2 =	vmpcnt.ones.xlane vm5;
	_ =	sdelay $0x1  }
0xd8: {  	(v2sf) =	vpush v2, $0x0;
	_ =	sdelay $0x7  }
0xd9: {  	s31 =	spop (v2sf)  }
0xda: {  	s21 =	sadd.s32 s21, s31  }
0xdb: {  	[tilespmem:s21+$0x12000] =	vst.msk vm5, v3  }
0xdc: {  	v2 =	vld [tilespmem:s11+$0x820];
	_ =	sdelay $0x3  }
0xdd: {  	s23 =	spop (v2sf)  }
0xde: {  	s21 =	sadd.s32 s21, s23;
	vm6 =	vle.f32 v2, v1  }
0xdf: {  	[tilespmem:s21+$0x12000] =	vst.msk vm6, v2;
	v2 =	vmpcnt.ones.xlane vm6  }
0xe0: {  	v3 =	vld [tilespmem:s11+$0x830]  }
0xe1: {  	(v2sf) =	vpush v2, $0x0;
	_ =	sdelay $0x3  }
0xe2: {  	vm7 =	vle.f32 v3, v1  }
0xe3: {  	v2 =	vmpcnt.ones.xlane vm7;
	_ =	sdelay $0x1  }
0xe4: {  	(v2sf) =	vpush v2, $0x0;
	_ =	sdelay $0x7  }
0xe5: {  	s24 =	spop (v2sf)  }
0xe6: {  	s21 =	sadd.s32 s21, s24  }
0xe7: {  	[tilespmem:s21+$0x12000] =	vst.msk vm7, v3  }
0xe8: {  	v2 =	vld [tilespmem:s11+$0x840];
	_ =	sdelay $0x3  }
0xe9: {  	s25 =	spop (v2sf)  }
0xea: {  	s21 =	sadd.s32 s21, s25;
	vm8 =	vle.f32 v2, v1  }
0xeb: {  	[tilespmem:s21+$0x12000] =	vst.msk vm8, v2;
	v2 =	vmpcnt.ones.xlane vm8  }
0xec: {  	v3 =	vld [tilespmem:s11+$0x850]  }
0xed: {  	(v2sf) =	vpush v2, $0x0;
	_ =	sdelay $0x3  }
0xee: {  	vm9 =	vle.f32 v3, v1  }
0xef: {  	v2 =	vmpcnt.ones.xlane vm9;
	_ =	sdelay $0x1  }
0xf0: {  	(v2sf) =	vpush v2, $0x0;
	_ =	sdelay $0x7  }
0xf1: {  	s26 =	spop (v2sf)  }
0xf2: {  	s21 =	sadd.s32 s21, s26  }
0xf3: {  	[tilespmem:s21+$0x12000] =	vst.msk vm9, v3  }
0xf4: {  	v2 =	vld [tilespmem:s11+$0x860];
	_ =	sdelay $0x3  }
0xf5: {  	s28 =	spop (v2sf)  }
0xf6: {  	s21 =	sadd.s32 s21, s28;
	vm10 =	vle.f32 v2, v1  }
0xf7: {  	[tilespmem:s21+$0x12000] =	vst.msk vm10, v2;
	v2 =	vmpcnt.ones.xlane vm10  }
0xf8: {  	v3 =	vld [tilespmem:s11+$0x870]  }
0xf9: {  	(v2sf) =	vpush v2, $0x0;
	_ =	sdelay $0x3  }
0xfa: {  	vm11 =	vle.f32 v3, v1  }
0xfb: {  	v2 =	vmpcnt.ones.xlane vm11;
	_ =	sdelay $0x1  }
0xfc: {  	(v2sf) =	vpush v2, $0x0;
	_ =	sdelay $0x7  }
0xfd: {  	s29 =	spop (v2sf)  }
0xfe: {  	s21 =	sadd.s32 s21, s29  }
0xff: {  	[tilespmem:s21+$0x12000] =	vst.msk vm11, v3  }
0x100: {  	v2 =	vld [tilespmem:s11+$0xC00];
	_ =	sdelay $0x3  }
0x101: {  	s30 =	spop (v2sf)  }
0x102: {  	s21 =	sadd.s32 s21, s30;
	vm12 =	vle.f32 v2, v1  }
0x103: {  	[tilespmem:s21+$0x12000] =	vst.msk vm12, v2;
	v2 =	vmpcnt.ones.xlane vm12  }
0x104: {  	v3 =	vld [tilespmem:s11+$0xC10]  }
0x105: {  	(v2sf) =	vpush v2, $0x0;
	_ =	sdelay $0x3  }
0x106: {  	vm13 =	vle.f32 v3, v1  }
0x107: {  	v2 =	vmpcnt.ones.xlane vm13;
	_ =	sdelay $0x1  }
0x108: {  	(v2sf) =	vpush v2, $0x0;
	_ =	sdelay $0x7  }
0x109: {  	s31 =	spop (v2sf)  }
0x10a: {  	s21 =	sadd.s32 s21, s31  }
0x10b: {  	[tilespmem:s21+$0x12000] =	vst.msk vm13, v3  }
0x10c: {  	v2 =	vld [tilespmem:s11+$0xC20];
	_ =	sdelay $0x3  }
0x10d: {  	s23 =	spop (v2sf)  }
0x10e: {  	s21 =	sadd.s32 s21, s23;
	vm14 =	vle.f32 v2, v1  }
0x10f: {  	[tilespmem:s21+$0x12000] =	vst.msk vm14, v2;
	v2 =	vmpcnt.ones.xlane vm14  }
0x110: {  	v3 =	vld [tilespmem:s11+$0xC30]  }
0x111: {  	(v2sf) =	vpush v2, $0x0;
	_ =	sdelay $0x3  }
0x112: {  	vm15 =	vle.f32 v3, v1  }
0x113: {  	v2 =	vmpcnt.ones.xlane vm15;
	_ =	sdelay $0x1  }
0x114: {  	(v2sf) =	vpush v2, $0x0;
	_ =	sdelay $0x7  }
0x115: {  	s24 =	spop (v2sf)  }
0x116: {  	s21 =	sadd.s32 s21, s24  }
0x117: {  	[tilespmem:s21+$0x12000] =	vst.msk vm15, v3  }
0x118: {  	v2 =	vld [tilespmem:s11+$0xC40];
	_ =	sdelay $0x3  }
0x119: {  	s25 =	spop (v2sf)  }
0x11a: {  	s21 =	sadd.s32 s21, s25;
	vm4 =	vle.f32 v2, v1  }
0x11b: {  	[tilespmem:s21+$0x12000] =	vst.msk vm4, v2;
	v2 =	vmpcnt.ones.xlane vm4  }
0x11c: {  	v3 =	vld [tilespmem:s11+$0xC50]  }
0x11d: {  	(v2sf) =	vpush v2, $0x0;
	_ =	sdelay $0x3  }
0x11e: {  	vm5 =	vle.f32 v3, v1  }
0x11f: {  	v2 =	vmpcnt.ones.xlane vm5;
	_ =	sdelay $0x1  }
0x120: {  	(v2sf) =	vpush v2, $0x0;
	_ =	sdelay $0x7  }
0x121: {  	s26 =	spop (v2sf)  }
0x122: {  	s21 =	sadd.s32 s21, s26  }
0x123: {  	[tilespmem:s21+$0x12000] =	vst.msk vm5, v3  }
0x124: {  	v2 =	vld [tilespmem:s11+$0xC60];
	_ =	sdelay $0x3  }
0x125: {  	s28 =	spop (v2sf)  }
0x126: {  	s21 =	sadd.s32 s21, s28;
	vm6 =	vle.f32 v2, v1  }
0x127: {  	[tilespmem:s21+$0x12000] =	vst.msk vm6, v2;
	v2 =	vmpcnt.ones.xlane vm6  }
0x128: {  	v3 =	vld [tilespmem:s11+$0xC70]  }
0x129: {  	(v2sf) =	vpush v2, $0x0;
	_ =	sdelay $0x3  }
0x12a: {  	vm7 =	vle.f32 v3, v1  }
0x12b: {  	v2 =	vmpcnt.ones.xlane vm7;
	_ =	sdelay $0x1  }
0x12c: {  	(v2sf) =	vpush v2, $0x0;
	_ =	sdelay $0x7  }
0x12d: {  	s29 =	spop (v2sf)  }
0x12e: {  	s21 =	sadd.s32 s21, s29  }
0x12f: {  	[tilespmem:s21+$0x12000] =	vst.msk vm7, v3  }
0x130: {  	v2 =	vld [tilespmem:s11+$0x1000];
	_ =	sdelay $0x3  }
0x131: {  	s30 =	spop (v2sf)  }
0x132: {  	s21 =	sadd.s32 s21, s30;
	vm8 =	vle.f32 v2, v1  }
0x133: {  	[tilespmem:s21+$0x12000] =	vst.msk vm8, v2;
	v2 =	vmpcnt.ones.xlane vm8  }
0x134: {  	v3 =	vld [tilespmem:s11+$0x1010]  }
0x135: {  	(v2sf) =	vpush v2, $0x0;
	_ =	sdelay $0x3  }
0x136: {  	vm9 =	vle.f32 v3, v1  }
0x137: {  	v2 =	vmpcnt.ones.xlane vm9;
	_ =	sdelay $0x1  }
0x138: {  	(v2sf) =	vpush v2, $0x0;
	_ =	sdelay $0x7  }
0x139: {  	s31 =	spop (v2sf)  }
0x13a: {  	s21 =	sadd.s32 s21, s31  }
0x13b: {  	[tilespmem:s21+$0x12000] =	vst.msk vm9, v3  }
0x13c: {  	v2 =	vld [tilespmem:s11+$0x1020];
	_ =	sdelay $0x3  }
0x13d: {  	s23 =	spop (v2sf)  }
0x13e: {  	s21 =	sadd.s32 s21, s23;
	vm10 =	vle.f32 v2, v1  }
0x13f: {  	[tilespmem:s21+$0x12000] =	vst.msk vm10, v2;
	v2 =	vmpcnt.ones.xlane vm10  }
0x140: {  	v3 =	vld [tilespmem:s11+$0x1030]  }
0x141: {  	(v2sf) =	vpush v2, $0x0;
	_ =	sdelay $0x3  }
0x142: {  	vm11 =	vle.f32 v3, v1  }
0x143: {  	v2 =	vmpcnt.ones.xlane vm11;
	_ =	sdelay $0x1  }
0x144: {  	(v2sf) =	vpush v2, $0x0;
	_ =	sdelay $0x7  }
0x145: {  	s24 =	spop (v2sf)  }
0x146: {  	s21 =	sadd.s32 s21, s24  }
0x147: {  	[tilespmem:s21+$0x12000] =	vst.msk vm11, v3  }
0x148: {  	v2 =	vld [tilespmem:s11+$0x1040];
	_ =	sdelay $0x3  }
0x149: {  	s25 =	spop (v2sf)  }
0x14a: {  	s21 =	sadd.s32 s21, s25;
	vm12 =	vle.f32 v2, v1  }
0x14b: {  	[tilespmem:s21+$0x12000] =	vst.msk vm12, v2;
	v2 =	vmpcnt.ones.xlane vm12  }
0x14c: {  	v3 =	vld [tilespmem:s11+$0x1050]  }
0x14d: {  	(v2sf) =	vpush v2, $0x0;
	_ =	sdelay $0x3  }
0x14e: {  	vm13 =	vle.f32 v3, v1  }
0x14f: {  	v2 =	vmpcnt.ones.xlane vm13;
	_ =	sdelay $0x1  }
0x150: {  	(v2sf) =	vpush v2, $0x0;
	_ =	sdelay $0x7  }
0x151: {  	s26 =	spop (v2sf)  }
0x152: {  	s21 =	sadd.s32 s21, s26  }
0x153: {  	[tilespmem:s21+$0x12000] =	vst.msk vm13, v3  }
0x154: {  	v2 =	vld [tilespmem:s11+$0x1060];
	_ =	sdelay $0x3  }
0x155: {  	s28 =	spop (v2sf)  }
0x156: {  	s21 =	sadd.s32 s21, s28;
	vm14 =	vle.f32 v2, v1  }
0x157: {  	[tilespmem:s21+$0x12000] =	vst.msk vm14, v2;
	v2 =	vmpcnt.ones.xlane vm14  }
0x158: {  	v3 =	vld [tilespmem:s11+$0x1070]  }
0x159: {  	(v2sf) =	vpush v2, $0x0;
	_ =	sdelay $0x3  }
0x15a: {  	vm15 =	vle.f32 v3, v1  }
0x15b: {  	v2 =	vmpcnt.ones.xlane vm15;
	_ =	sdelay $0x1  }
0x15c: {  	(v2sf) =	vpush v2, $0x0;
	_ =	sdelay $0x7  }
0x15d: {  	s29 =	spop (v2sf)  }
0x15e: {  	s21 =	sadd.s32 s21, s29  }
0x15f: {  	[tilespmem:s21+$0x12000] =	vst.msk vm15, v3  }
0x160: {  	v2 =	vld [tilespmem:s11+$0x1400];
	_ =	sdelay $0x3  }
0x161: {  	s30 =	spop (v2sf)  }
0x162: {  	s21 =	sadd.s32 s21, s30;
	vm4 =	vle.f32 v2, v1  }
0x163: {  	[tilespmem:s21+$0x12000] =	vst.msk vm4, v2;
	v2 =	vmpcnt.ones.xlane vm4  }
0x164: {  	v3 =	vld [tilespmem:s11+$0x1410]  }
0x165: {  	(v2sf) =	vpush v2, $0x0;
	_ =	sdelay $0x3  }
0x166: {  	vm5 =	vle.f32 v3, v1  }
0x167: {  	v2 =	vmpcnt.ones.xlane vm5;
	_ =	sdelay $0x1  }
0x168: {  	(v2sf) =	vpush v2, $0x0;
	_ =	sdelay $0x7  }
0x169: {  	s31 =	spop (v2sf)  }
0x16a: {  	s21 =	sadd.s32 s21, s31  }
0x16b: {  	[tilespmem:s21+$0x12000] =	vst.msk vm5, v3  }
0x16c: {  	v2 =	vld [tilespmem:s11+$0x1420];
	_ =	sdelay $0x3  }
0x16d: {  	s23 =	spop (v2sf)  }
0x16e: {  	s21 =	sadd.s32 s21, s23;
	vm6 =	vle.f32 v2, v1  }
0x16f: {  	[tilespmem:s21+$0x12000] =	vst.msk vm6, v2;
	v2 =	vmpcnt.ones.xlane vm6  }
0x170: {  	v3 =	vld [tilespmem:s11+$0x1430]  }
0x171: {  	(v2sf) =	vpush v2, $0x0;
	_ =	sdelay $0x3  }
0x172: {  	vm7 =	vle.f32 v3, v1  }
0x173: {  	v2 =	vmpcnt.ones.xlane vm7;
	_ =	sdelay $0x1  }
0x174: {  	(v2sf) =	vpush v2, $0x0;
	_ =	sdelay $0x7  }
0x175: {  	s24 =	spop (v2sf)  }
0x176: {  	s21 =	sadd.s32 s21, s24  }
0x177: {  	[tilespmem:s21+$0x12000] =	vst.msk vm7, v3  }
0x178: {  	v2 =	vld [tilespmem:s11+$0x1440];
	_ =	sdelay $0x3  }
0x179: {  	s25 =	spop (v2sf)  }
0x17a: {  	s21 =	sadd.s32 s21, s25;
	vm8 =	vle.f32 v2, v1  }
0x17b: {  	[tilespmem:s21+$0x12000] =	vst.msk vm8, v2;
	v2 =	vmpcnt.ones.xlane vm8  }
0x17c: {  	v3 =	vld [tilespmem:s11+$0x1450]  }
0x17d: {  	(v2sf) =	vpush v2, $0x0;
	_ =	sdelay $0x3  }
0x17e: {  	vm9 =	vle.f32 v3, v1  }
0x17f: {  	v2 =	vmpcnt.ones.xlane vm9;
	_ =	sdelay $0x1  }
0x180: {  	(v2sf) =	vpush v2, $0x0;
	_ =	sdelay $0x7  }
0x181: {  	s26 =	spop (v2sf)  }
0x182: {  	s21 =	sadd.s32 s21, s26  }
0x183: {  	[tilespmem:s21+$0x12000] =	vst.msk vm9, v3  }
0x184: {  	v2 =	vld [tilespmem:s11+$0x1460];
	_ =	sdelay $0x3  }
0x185: {  	s28 =	spop (v2sf)  }
0x186: {  	s21 =	sadd.s32 s21, s28;
	vm10 =	vle.f32 v2, v1  }
0x187: {  	[tilespmem:s21+$0x12000] =	vst.msk vm10, v2;
	v2 =	vmpcnt.ones.xlane vm10  }
0x188: {  	v3 =	vld [tilespmem:s11+$0x1470]  }
0x189: {  	(v2sf) =	vpush v2, $0x0;
	_ =	sdelay $0x3  }
0x18a: {  	vm11 =	vle.f32 v3, v1  }
0x18b: {  	v2 =	vmpcnt.ones.xlane vm11;
	_ =	sdelay $0x1  }
0x18c: {  	(v2sf) =	vpush v2, $0x0;
	_ =	sdelay $0x7  }
0x18d: {  	s29 =	spop (v2sf)  }
0x18e: {  	s21 =	sadd.s32 s21, s29  }
0x18f: {  	[tilespmem:s21+$0x12000] =	vst.msk vm11, v3  }
0x190: {  	v2 =	vld [tilespmem:s11+$0x1800];
	_ =	sdelay $0x3  }
0x191: {  	s30 =	spop (v2sf)  }
0x192: {  	s21 =	sadd.s32 s21, s30;
	vm12 =	vle.f32 v2, v1  }
0x193: {  	[tilespmem:s21+$0x12000] =	vst.msk vm12, v2;
	v2 =	vmpcnt.ones.xlane vm12  }
0x194: {  	v3 =	vld [tilespmem:s11+$0x1810]  }
0x195: {  	(v2sf) =	vpush v2, $0x0;
	_ =	sdelay $0x3  }
0x196: {  	vm13 =	vle.f32 v3, v1  }
0x197: {  	v2 =	vmpcnt.ones.xlane vm13;
	_ =	sdelay $0x1  }
0x198: {  	(v2sf) =	vpush v2, $0x0;
	_ =	sdelay $0x7  }
0x199: {  	s31 =	spop (v2sf)  }
0x19a: {  	s21 =	sadd.s32 s21, s31  }
0x19b: {  	[tilespmem:s21+$0x12000] =	vst.msk vm13, v3  }
0x19c: {  	v2 =	vld [tilespmem:s11+$0x1820];
	_ =	sdelay $0x3  }
0x19d: {  	s23 =	spop (v2sf)  }
0x19e: {  	s21 =	sadd.s32 s21, s23;
	vm14 =	vle.f32 v2, v1  }
0x19f: {  	[tilespmem:s21+$0x12000] =	vst.msk vm14, v2;
	v2 =	vmpcnt.ones.xlane vm14  }
0x1a0: {  	v3 =	vld [tilespmem:s11+$0x1830]  }
0x1a1: {  	(v2sf) =	vpush v2, $0x0;
	_ =	sdelay $0x3  }
0x1a2: {  	vm15 =	vle.f32 v3, v1  }
0x1a3: {  	v2 =	vmpcnt.ones.xlane vm15;
	_ =	sdelay $0x1  }
0x1a4: {  	(v2sf) =	vpush v2, $0x0;
	_ =	sdelay $0x7  }
0x1a5: {  	s24 =	spop (v2sf)  }
0x1a6: {  	s21 =	sadd.s32 s21, s24  }
0x1a7: {  	[tilespmem:s21+$0x12000] =	vst.msk vm15, v3  }
0x1a8: {  	v2 =	vld [tilespmem:s11+$0x1840];
	_ =	sdelay $0x3  }
0x1a9: {  	s25 =	spop (v2sf)  }
0x1aa: {  	s21 =	sadd.s32 s21, s25;
	vm4 =	vle.f32 v2, v1  }
0x1ab: {  	[tilespmem:s21+$0x12000] =	vst.msk vm4, v2;
	v2 =	vmpcnt.ones.xlane vm4  }
0x1ac: {  	v3 =	vld [tilespmem:s11+$0x1850]  }
0x1ad: {  	(v2sf) =	vpush v2, $0x0;
	_ =	sdelay $0x3  }
0x1ae: {  	vm5 =	vle.f32 v3, v1  }
0x1af: {  	v2 =	vmpcnt.ones.xlane vm5;
	_ =	sdelay $0x1  }
0x1b0: {  	(v2sf) =	vpush v2, $0x0;
	_ =	sdelay $0x7  }
0x1b1: {  	s26 =	spop (v2sf)  }
0x1b2: {  	s21 =	sadd.s32 s21, s26  }
0x1b3: {  	[tilespmem:s21+$0x12000] =	vst.msk vm5, v3  }
0x1b4: {  	v2 =	vld [tilespmem:s11+$0x1860];
	_ =	sdelay $0x3  }
0x1b5: {  	s28 =	spop (v2sf)  }
0x1b6: {  	s21 =	sadd.s32 s21, s28;
	vm6 =	vle.f32 v2, v1  }
0x1b7: {  	[tilespmem:s21+$0x12000] =	vst.msk vm6, v2;
	v2 =	vmpcnt.ones.xlane vm6  }
0x1b8: {  	v3 =	vld [tilespmem:s11+$0x1870]  }
0x1b9: {  	(v2sf) =	vpush v2, $0x0;
	_ =	sdelay $0x3  }
0x1ba: {  	vm7 =	vle.f32 v3, v1  }
0x1bb: {  	v2 =	vmpcnt.ones.xlane vm7;
	_ =	sdelay $0x1  }
0x1bc: {  	(v2sf) =	vpush v2, $0x0;
	_ =	sdelay $0x7  }
0x1bd: {  	s29 =	spop (v2sf)  }
0x1be: {  	s11 =	sadd.s32 s21, s29  }
0x1bf: {  	[tilespmem:s11+$0x12000] =	vst.msk vm7, v3  }
0x1c0: {  	v2 =	vld [tilespmem:s20+$0x0];
	_ =	sdelay $0x3  }
0x1c1: {  	s30 =	spop (v2sf)  }
0x1c2: {  	s11 =	sadd.s32 s11, s30;
	vm8 =	vle.f32 v2, v1  }
0x1c3: {  	[tilespmem:s11+$0x12000] =	vst.msk vm8, v2;
	v2 =	vmpcnt.ones.xlane vm8  }
0x1c4: {  	v3 =	vld [tilespmem:s19+$0x0]  }
0x1c5: {  	(v2sf) =	vpush v2, $0x0;
	_ =	sdelay $0x3  }
0x1c6: {  	vm9 =	vle.f32 v3, v1  }
0x1c7: {  	v2 =	vmpcnt.ones.xlane vm9;
	_ =	sdelay $0x1  }
0x1c8: {  	(v2sf) =	vpush v2, $0x0;
	_ =	sdelay $0x7  }
0x1c9: {  	s31 =	spop (v2sf)  }
0x1ca: {  	s11 =	sadd.s32 s11, s31  }
0x1cb: {  	[tilespmem:s11+$0x12000] =	vst.msk vm9, v3  }
0x1cc: {  	v2 =	vld [tilespmem:s18+$0x0];
	_ =	sdelay $0x3  }
0x1cd: {  	s20 =	spop (v2sf)  }
0x1ce: {  	s11 =	sadd.s32 s11, s20;
	vm10 =	vle.f32 v2, v1  }
0x1cf: {  	[tilespmem:s11+$0x12000] =	vst.msk vm10, v2;
	v2 =	vmpcnt.ones.xlane vm10  }
0x1d0: {  	v3 =	vld [tilespmem:s17+$0x0]  }
0x1d1: {  	(v2sf) =	vpush v2, $0x0;
	_ =	sdelay $0x3  }
0x1d2: {  	vm11 =	vle.f32 v3, v1  }
0x1d3: {  	v2 =	vmpcnt.ones.xlane vm11;
	_ =	sdelay $0x1  }
0x1d4: {  	(v2sf) =	vpush v2, $0x0;
	_ =	sdelay $0x7  }
0x1d5: {  	s21 =	spop (v2sf)  }
0x1d6: {  	s11 =	sadd.s32 s11, s21  }
0x1d7: {  	[tilespmem:s11+$0x12000] =	vst.msk vm11, v3  }
0x1d8: {  	v2 =	vld [tilespmem:s16+$0x0];
	_ =	sdelay $0x3  }
0x1d9: {  	s22 =	spop (v2sf)  }
0x1da: {  	s11 =	sadd.s32 s11, s22;
	vm12 =	vle.f32 v2, v1  }
0x1db: {  	[tilespmem:s11+$0x12000] =	vst.msk vm12, v2;
	v2 =	vmpcnt.ones.xlane vm12  }
0x1dc: {  	v3 =	vld [tilespmem:s15+$0x0]  }
0x1dd: {  	(v2sf) =	vpush v2, $0x0;
	_ =	sdelay $0x3  }
0x1de: {  	vm13 =	vle.f32 v3, v1  }
0x1df: {  	v2 =	vmpcnt.ones.xlane vm13;
	_ =	sdelay $0x1  }
0x1e0: {  	(v2sf) =	vpush v2, $0x0;
	_ =	sdelay $0x7  }
0x1e1: {  	s23 =	spop (v2sf)  }
0x1e2: {  	s11 =	sadd.s32 s11, s23  }
0x1e3: {  	[tilespmem:s11+$0x12000] =	vst.msk vm13, v3  }
0x1e4: {  	v2 =	vld [tilespmem:s14+$0x0];
	_ =	sdelay $0x3  }
0x1e5: {  	s24 =	spop (v2sf)  }
0x1e6: {  	s11 =	sadd.s32 s11, s24;
	vm14 =	vle.f32 v2, v1  }
0x1e7: {  	[tilespmem:s11+$0x12000] =	vst.msk vm14, v2  }
0x1e8: {  	v2 =	vld [tilespmem:s13+$0x0];
	_ =	sdelay $0x4  }
0x1e9: {  	v3 =	vmpcnt.ones.xlane vm14;
	vm15 =	vle.f32 v2, v1  }
0x1ea: {  	v1 =	vmpcnt.ones.xlane vm15  }
0x1eb: {  	(v2sf) =	vpush v3, $0x0  }
0x1ec: {  	(v2sf) =	vpush v1, $0x0;
	_ =	sdelay $0xd  }
0x1ed: {  	s25 =	spop (v2sf)  }
0x1ee: {  	s13 =	sadd.s32 s11, s25;
	s26 =	spop (v2sf)  }
0x1ef: {  	s28 =	sadd.s32 s13, s26  }
0x1f0: {  	s11 =	sadd.s32 $0xF, s28  }
0x1f1: {  	s29 =	sand.u32 $0xF, s11  }
0x1f2: {  	s30 =	sshra.s32 s11, $0x1F;
	p0 =	slt.s32 s11, $0x1;
	p1 =	sne.s32 s29, $0x0  }
0x1f3: {  	s31 =	sshrl.u32 s30, $0x1C;
	p0 =	por !p0, !p1  }
0x1f4: {  	s15 =	simm.s32 $0x1;
	s11 =	sadd.s32 s31, s11;
	p0 =	por !p0, !p0  }
0x1f5: {  	s11 =	sshra.s32 s11, $0x4;
	s15 =	simm.s32 @!p0 $0x0  }
0x1f6: {  	s11 =	ssub.s32 s11, s15  }
0x1f7: {  	p0 =	slt.s32 s11, $0x1  }
.Ltmp4:
0x1f8: {  	_ = 	snop;
	(pc) =	sbr.rel @p0 .LBB2_10-.Ltmp4, $3  }
0x1f9: {  	_ =	sdelay $0x1  }
0x1fa: {  	v1 =	vimm.f32 $3.000000010e+38;
	[tilespmem:s13+$0x12000] =	vst.msk vm15, v2  }
0x1fb: {  	[tilespmem:s28+$0x12000] =	vst v1  }
0x1fc: {  	p2 =	sne.s32 s11, $0x1  }
.Ltmp5:
0x1fd: {  	_ = 	snop;
	(pc) =	sbr.rel @!p2 .LBB2_4-.Ltmp5, $3  }
0x1fe: {  	_ =	sdelay $0x1  }
0x1ff: {  	v2 =	vld [tilespmem:s12+$0x0]  }
0x200: {  	s13 =	sadd.s32 $0xFFFFFFFF, s11;
	p0 =	por $0x0, $0x0;
	p1 =	por $0x0, $0x0  }
0x201: {  	_ =	sdelay $0x2  }
0x202: {  	(xrf1) =	vsort.ascd.msk.f32 $0xffff, v2, v2;
	_ =	sdelay $0x7  }
0x203: {  	p2 =	sne.s32 s13, $0x1  }
.Ltmp6:
0x204: {  	_ = 	snop;
	(pc) =	sbr.rel @!p2 .LBB2_6-.Ltmp6, $4  }
0x205: {  	_ = 	snop  }
0x206: {  	s11 =	sadd.s32 $0x10, s12  }
0x207: {  	v2 =	vld [tilespmem:s11+$0x0]  }
0x208: {  	s12 =	sadd.s32 $0xFFFFFFFF, s13;
	p0 =	por $0x1, $0x1  }
0x209: {  	v3, _, _ =	vpop (xrf1)  }
0x20a: {  	v3 =	vperm.xlane v3, v0;
	_ =	sdelay $0x1  }
0x20b: {  	(xrf1) =	vsort.ascd.msk.f32 $0xffff, v2, v2;
	v2 =	vmin.f32 v1, v3  }
0x20c: {  	(xrf1) =	vsort.ascd.msk.f32 $0xffff, v2, v2;
	_ =	sdelay $0x6  }
0x20d: {  	p2 =	sne.s32 s12, $0x1  }
.Ltmp7:
0x20e: {  	_ = 	snop;
	(pc) =	sbr.rel @!p2 .LBB2_9-.Ltmp7, $4  }
0x20f: {  	_ = 	snop  }
0x210: {  	s11 =	sadd.s32 $0x10, s11  }
0x211: {  	v2 =	vld [tilespmem:s11+$0x0]  }
0x212: {  	s12 =	sadd.s32 $0xFFFFFFFF, s12;
	p1 =	por $0x1, $0x1  }
.LBB2_8:
0x213: {  	p2 =	sne.s32 s12, $0x1;
	_ =	sdelay $0x1  }
0x214: {  	v3, _, _ =	vpop (xrf1)  }
0x215: {  	v3 =	vperm.xlane v3, v0  }
0x216: {  	(xrf1) =	vsort.ascd.msk.f32 $0xffff, v2, v2;
	v2, _, _ =	vpop (xrf1)  }
0x217: {  	v2 =	vmin.f32 v2, v3  }
0x218: {  	(xrf1) =	vsort.ascd.msk.f32 $0xffff, v2, v2;
	_ =	sdelay $0x4  }
.Ltmp8:
0x219: {  	(pc) =	sbr.rel @p2 .LBB2_8-.Ltmp8, $3  }
0x21a: {  	_ =	sdelay $0x1  }
0x21b: {  	s11 =	sadd.s32 $0x10, s11  }
0x21c: {  	s12 =	sadd.s32 $0xFFFFFFFF, s12;
	v2 =	vld [tilespmem:s11+$0x0]  }
.Ltmp9:
0x21d: {  	_ = 	snop;
	(pc) =	sbr.rel .LBB2_9-.Ltmp9, $1  }
0x21e: {  	_ =	sdelay $0x3  }
.LBB2_6:
.Ltmp10:
0x21f: {  	(pc) =	sbr.rel .LBB2_9-.Ltmp10, $2  }
0x220: {  	_ =	sdelay $0x2  }
0x221: {  	_ = 	snop  }
.LBB2_12:
0x222: {  	_ =	sfence.sel $0x180000  }
0x223: {  	[bflag:$0x0] =	sbarrier.arrive $0xFFFF  }
0x224: {  	p0 =	sne.s32 s1, $0x0;
	_ =	strace $0x90000047  }
0x225: {  	s0 =	sadd.s32 @!p0 $0x100000, s0;
	[bflag:$0x2] =	sbarrier.arrive $0xFFFF  }
0x226: {  	[sflag:s0] =	ssyncadd.tile.s32 @!p0 $0x1;
	_ =	shalt  }
.Lfunc_end2:
_tile_overlayer_lowered:
.L_overlay_start_2:
0x227: {  	(tag) =	ssettag $0x2  }
0x228: {  	s0 =	rddreg [dreg:$0x0];
	s2 =	stileid.u32  }
0x229: {  	s1 =	rddreg [dreg:$0x1];
	p0 =	sne.s32 s2, $0x0  }
0x22a: {  	s3 =	rddreg [dreg:$0x2];
	[bflag:$0x3] =	sbarrier.arrive $0xFFFF;
	s2 =	simm.s32 @!p0 $0x1C01  }
0x22b: {  	[timem:s3], [sflag:s2] =	dma.local @!p0 [hbm:s0], s1  }
0x22c: {  	s0 =	simm.s32 @!p0 $0x1  }
0x22d: {  	_ =	swait.ge @!p0 [sflag:s0], s1  }
0x22e: {  	s1 =	ssub.s32 @!p0 $0x0, s1;
	[sflag:s0] =	ssyncset.done @!p0 $0x0  }
0x22f: {  	[sflag:s0] =	ssyncadd.s32 @!p0 s1  }
0x230: {  	[bflag:$0x3] =	sbarrier.arrive $0xFFFF  }
0x231: {  	_ =	shalt  }

</sc_bundles>
